<compile_context>
chip_gen: v7x
topology: tpu7x:2x2x1
jax: 0.10.2.dev20260603
libtpu: 0.0.44.dev20260713+nightly
codegen_flags: <defaults>
</compile_context>

<pallas_src>
import jax
import jax.numpy as jnp
from jax import lax
from jax.experimental import pallas as pl
from jax.experimental.pallas import tpu as pltpu
from jax.experimental.pallas import tpu_sc as plsc

_R = 1.0
_B = 1024
_DX = 2.0 * _R / (_B - 1)
_INV_DX = (_B - 1) / (2.0 * _R)

_TROWS = _B + 1

_NC = 2
_NS = 16
_NW = _NC * _NS
_LANES = 16
_TBLW = _TROWS * _LANES

_N = 2 * 4096 * 2048
_PER_W = _N // _NW
_ROWS = 2048
_CROWS = 4
_CHUNK = _CROWS * _ROWS
_NCHUNK = _PER_W // _CHUNK
_W_ROWS = _PER_W // _ROWS
_DEPTH = 4

_MUL16 = _INV_DX * _LANES
_ADD16 = (_R * _INV_DX + 1.0) * _LANES
_MAX16 = float(_B * _LANES)
_MAGIC = float(2 ** 23)
_MASK = 0x00FFFFF0


def _prep_body(isp_ref, a_ref, b_ref):
    z = isp_ref[...]
    sp = jnp.maximum(z, 0.0) + jnp.log1p(jnp.exp(-jnp.abs(z)))
    jj = lax.broadcasted_iota(jnp.int32, (_TROWS, 1), 0)
    internal = (jj >= 1) & (jj <= _B - 1)
    total = jnp.sum(jnp.where(internal, sp, 0.0))
    correction = (2.0 * _R) / (_DX * total)
    slopes = sp * correction
    s_col = slopes[0:_B, :]
    ri = lax.broadcasted_iota(jnp.int32, (_B, _B), 1)
    rn = lax.broadcasted_iota(jnp.int32, (_B, _B), 0)
    tri = jnp.where((ri >= 1) & (ri <= rn), 1.0, 0.0)
    cs = jnp.dot(tri, s_col, preferred_element_type=jnp.float32)
    values = -_R + _DX * cs
    vs = jnp.concatenate([values[0:1, :], values], axis=0)
    xa = -_R + _DX * jnp.clip(jj - 1, 0, _B - 1).astype(jnp.float32)
    a_ref[...] = jnp.broadcast_to(vs - slopes * xa, (_TROWS, _LANES))
    b_ref[...] = jnp.broadcast_to(slopes, (_TROWS, _LANES))


_prep = pl.pallas_call(
    _prep_body,
    out_shape=[
        jax.ShapeDtypeStruct((_TROWS, _LANES), jnp.float32),
        jax.ShapeDtypeStruct((_TROWS, _LANES), jnp.float32),
    ],
)


def _sc_body(x_hbm, a_hbm, b_hbm, y_hbm, a_v, b_v, xb, yb, ls, ss):
    wid = lax.axis_index("s") * _NC + lax.axis_index("c")
    batch = wid // (4096 // _W_ROWS)
    row0 = (wid % (4096 // _W_ROWS)) * _W_ROWS
    pltpu.sync_copy(a_hbm, a_v)
    pltpu.sync_copy(b_hbm, b_v)
    lane = lax.iota(jnp.int32, _LANES)

    def xsl(c):
        return x_hbm.at[batch, pl.ds(row0 + c * _CROWS, _CROWS), :]

    def ysl(c):
        return y_hbm.at[batch, pl.ds(row0 + c * _CROWS, _CROWS), :]

    def compute(xref, yref):
        @plsc.parallel_loop(0, _CHUNK, step=_LANES, unroll=8)
        def _vec(i):
            r = i >> 11
            c = i & (_ROWS - 1)
            xv = xref[r, pl.ds(c, _LANES)]
            u = xv * _MUL16 + (_ADD16 + _MAGIC)
            uc = jnp.minimum(jnp.maximum(u, _MAGIC), _MAGIC + _MAX16)
            bits = lax.bitcast_convert_type(uc, jnp.int32)
            addr = jnp.bitwise_or(jnp.bitwise_and(bits, _MASK), lane)
            av = plsc.load_gather(a_v, [addr])
            bv = plsc.load_gather(b_v, [addr])
            yref[r, pl.ds(c, _LANES)] = av + bv * xv

    for s in range(_DEPTH):
        pltpu.async_copy(xsl(s), xb[s], ls[s])

    @pl.loop(0, _NCHUNK, step=_DEPTH)
    def _group(c0):
        for s in range(_DEPTH):
            cur = c0 + s
            pltpu.make_async_copy(xsl(cur), xb[s], ls[s]).wait()

            @pl.when(cur >= _DEPTH)
            def _():
                pltpu.make_async_copy(yb[s], ysl(cur - _DEPTH), ss[s]).wait()

            compute(xb[s], yb[s])
            pltpu.async_copy(yb[s], ysl(cur), ss[s])

            @pl.when(cur + _DEPTH < _NCHUNK)
            def _():
                pltpu.async_copy(xsl(cur + _DEPTH), xb[s], ls[s])

    for s in range(_DEPTH):
        pltpu.make_async_copy(yb[s], ysl(_NCHUNK - _DEPTH + s), ss[s]).wait()


_sc_eval = pl.kernel(
    _sc_body,
    out_type=jax.ShapeDtypeStruct((2, 4096, 2048), jnp.float32),
    mesh=plsc.VectorSubcoreMesh(
        core_axis_name="c", subcore_axis_name="s",
        num_cores=_NC, num_subcores=_NS),
    compiler_params=pltpu.CompilerParams(needs_layout_passes=False),
    scratch_types=[
        pltpu.VMEM((_TBLW,), jnp.float32),
        pltpu.VMEM((_TBLW,), jnp.float32),
        [pltpu.VMEM((_CROWS, _ROWS), jnp.float32) for _ in range(_DEPTH)],
        [pltpu.VMEM((_CROWS, _ROWS), jnp.float32) for _ in range(_DEPTH)],
        [pltpu.SemaphoreType.DMA for _ in range(_DEPTH)],
        [pltpu.SemaphoreType.DMA for _ in range(_DEPTH)],
    ],
)


@jax.jit
def kernel(x, inv_softplus_slopes):
    a2, b2 = _prep(inv_softplus_slopes.reshape(_TROWS, 1))
    return _sc_eval(x, a2.reshape(_TBLW), b2.reshape(_TBLW))

# --- scband reference (transcript-rebuilt; emitter-appended) ---
"""Pipeline reference for scband-monotonic1-dfixed-range-36077725286916 (READ-ONLY COPY).

The authoritative reference and input builder live on the scoring server;
editing this copy changes nothing except your own understanding.
"""

import jax, jax.numpy as jnp
import numpy as np

INPUT_RANGE = 1.0
NUM_BREAKS = 1024


def setup_inputs(seed: int = 0) -> dict:
    key = jax.random.key(seed)
    k1, k2 = jax.random.split(key)
    x = jax.random.normal(k1, (2, 4096, 2048), dtype=jnp.float32)
    inv_softplus_slopes = jax.random.normal(k2, (NUM_BREAKS + 1,), dtype=jnp.float32)
    return {"x": x, "inv_softplus_slopes": inv_softplus_slopes}


def reference(x, inv_softplus_slopes):
    R = INPUT_RANGE
    B = NUM_BREAKS
    dx = 2.0 * R / (B - 1)
    # slopes property
    slopes_prop = jax.nn.softplus(inv_softplus_slopes)
    dy_internal = slopes_prop[1:-1] * dx
    dy_internal_total = jnp.sum(dy_internal)
    correction = 2.0 * R / dy_internal_total
    slopes = slopes_prop * correction
    # values_at_breaks property
    cumsum_slopes = jnp.cumsum(slopes[1:-1])
    cumsum_slopes = jnp.concatenate([jnp.zeros((1,), dtype=cumsum_slopes.dtype), cumsum_slopes], axis=0)
    values = -R + dx * cumsum_slopes
    # forward
    which = jnp.clip(jnp.floor((x + R) / dx).astype(jnp.int32), -1, B - 1)
    seg_slopes = slopes[which + 1]
    nearest = jnp.clip(which, 0, B - 1)
    values_at_breaks = values[nearest]
    xanchor = -R + nearest.astype(jnp.float32) * dx
    return values_at_breaks + seg_slopes * (x - xanchor)

if __name__ == "__main__":
    import jax
    _d = setup_inputs()
    print(jax.jit(kernel)(*tuple(_d.values())))

</pallas_src>

<mosaic_0001>
#map = affine_map<(d0, d1) -> (0, 0, 0)>
#map1 = affine_map<(d0, d1) -> (0)>
module attributes {stable_mosaic.version = 14 : i64} {
  func.func @_sc_body(%arg0: i32, %arg1: i32, %arg2: memref<2x4096x2048xf32, #tpu.memory_space<hbm>>, %arg3: memref<16400xf32, #tpu.memory_space<hbm>>, %arg4: memref<16400xf32, #tpu.memory_space<hbm>>, %arg5: memref<2x4096x2048xf32, #tpu.memory_space<hbm>>, %arg6: memref<16400xf32, #tpu.memory_space<vmem>>, %arg7: memref<16400xf32, #tpu.memory_space<vmem>>, %arg8: memref<4x2048xf32, #tpu.memory_space<vmem>>, %arg9: memref<4x2048xf32, #tpu.memory_space<vmem>>, %arg10: memref<4x2048xf32, #tpu.memory_space<vmem>>, %arg11: memref<4x2048xf32, #tpu.memory_space<vmem>>, %arg12: memref<4x2048xf32, #tpu.memory_space<vmem>>, %arg13: memref<4x2048xf32, #tpu.memory_space<vmem>>, %arg14: memref<4x2048xf32, #tpu.memory_space<vmem>>, %arg15: memref<4x2048xf32, #tpu.memory_space<vmem>>, %arg16: memref<!tpu.dma_semaphore, #tpu.memory_space<semaphore_mem>>, %arg17: memref<!tpu.dma_semaphore, #tpu.memory_space<semaphore_mem>>, %arg18: memref<!tpu.dma_semaphore, #tpu.memory_space<semaphore_mem>>, %arg19: memref<!tpu.dma_semaphore, #tpu.memory_space<semaphore_mem>>, %arg20: memref<!tpu.dma_semaphore, #tpu.memory_space<semaphore_mem>>, %arg21: memref<!tpu.dma_semaphore, #tpu.memory_space<semaphore_mem>>, %arg22: memref<!tpu.dma_semaphore, #tpu.memory_space<semaphore_mem>>, %arg23: memref<!tpu.dma_semaphore, #tpu.memory_space<semaphore_mem>>) attributes {dimension_semantics = [#tpu.dimension_semantics<core_parallel>, #tpu.dimension_semantics<subcore_parallel>], iteration_bounds = array<i64: 2, 16>, scalar_prefetch = 0 : i64, scratch_operands = 18 : i64, tpu.core_type = #tpu.core_type<sc_vector_subcore>, window_params = [{transform_indices = #map}, {transform_indices = #map1}, {transform_indices = #map1}, {transform_indices = #map}]} {
    %mul3A = arith.constant 2 : i32
    %mul3A_0 = arith.muli %arg1, %mul3A : i32
    %add3A = arith.addi %mul3A_0, %arg0 : i32
    %jit3A = arith.constant 16 : i32
    %div3A = arith.divsi %add3A, %jit3A : i32
    %sign3A = arith.constant 0 : i32
    %sign3A_1 = arith.cmpi sgt, %add3A, %sign3A : i32
    %sign3A_2 = arith.extui %sign3A_1 : i1 to i32
    %sign3A_3 = arith.constant 0 : i32
    %sign3A_4 = arith.cmpi slt, %add3A, %sign3A_3 : i32
    %sign3A_5 = arith.extui %sign3A_4 : i1 to i32
    %sign3A_6 = arith.subi %sign3A_2, %sign3A_5 : i32
    %sign3A_7 = arith.constant 0 : i32
    %sign3A_8 = arith.cmpi sgt, %jit3A, %sign3A_7 : i32
    %sign3A_9 = arith.extui %sign3A_8 : i1 to i32
    %sign3A_10 = arith.constant 0 : i32
    %sign3A_11 = arith.cmpi slt, %jit3A, %sign3A_10 : i32
    %sign3A_12 = arith.extui %sign3A_11 : i1 to i32
    %sign3A_13 = arith.subi %sign3A_9, %sign3A_12 : i32
    %ne3A = arith.cmpi ne, %sign3A_6, %sign3A_13 : i32
    %rem3A = arith.remsi %add3A, %jit3A : i32
    %ne3A_14 = arith.constant 0 : i32
    %ne3A_15 = arith.cmpi ne, %rem3A, %ne3A_14 : i32
    %and3A = arith.andi %ne3A, %ne3A_15 : i1
    %sub3A = arith.constant 1 : i32
    %sub3A_16 = arith.subi %div3A, %sub3A : i32
    %select_n3A = arith.select %and3A, %sub3A_16, %div3A : i32
    %jit3A_17 = arith.constant 16 : i32
    %eq3A = arith.constant 0 : i32
    %eq3A_18 = arith.cmpi eq, %jit3A_17, %eq3A : i32
    %jit3A_19 = arith.constant 1 : i32
    %select_n3A_20 = arith.select %eq3A_18, %jit3A_19, %jit3A_17 : i32
    %rem3A_21 = arith.remsi %add3A, %select_n3A_20 : i32
    %ne3A_22 = arith.constant 0 : i32
    %ne3A_23 = arith.cmpi ne, %rem3A_21, %ne3A_22 : i32
    %lt3A = arith.constant 0 : i32
    %lt3A_24 = arith.cmpi slt, %rem3A_21, %lt3A : i32
    %lt3A_25 = arith.constant 0 : i32
    %lt3A_26 = arith.cmpi slt, %select_n3A_20, %lt3A_25 : i32
    %ne3A_27 = arith.xori %lt3A_24, %lt3A_26 : i1
    %and3A_28 = arith.andi %ne3A_27, %ne3A_23 : i1
    %add3A_29 = arith.addi %rem3A_21, %select_n3A_20 : i32
    %select_n3A_30 = arith.select %and3A_28, %add3A_29, %rem3A_21 : i32
    %mul3A_31 = arith.constant 256 : i32
    %mul3A_32 = arith.muli %select_n3A_30, %mul3A_31 : i32
    "tpu.region"() ({
      %run_scoped3A = tpu.sem_alloc : memref<!tpu.dma_semaphore, #tpu.memory_space<semaphore_mem>>
      tpu.enqueue_dma source(%arg3 : memref<16400xf32, #tpu.memory_space<hbm>>) target(%arg6 : memref<16400xf32, #tpu.memory_space<vmem>>) target_semaphore(%run_scoped3A : memref<!tpu.dma_semaphore, #tpu.memory_space<semaphore_mem>>)
      tpu.wait_dma2 semaphore(%run_scoped3A : memref<!tpu.dma_semaphore, #tpu.memory_space<semaphore_mem>>) src(%arg3 : memref<16400xf32, #tpu.memory_space<hbm>>) dst(%arg6 : memref<16400xf32, #tpu.memory_space<vmem>>)
      tpu.yield
    }) : () -> ()
    "tpu.region"() ({
      %run_scoped3A = tpu.sem_alloc : memref<!tpu.dma_semaphore, #tpu.memory_space<semaphore_mem>>
      tpu.enqueue_dma source(%arg4 : memref<16400xf32, #tpu.memory_space<hbm>>) target(%arg7 : memref<16400xf32, #tpu.memory_space<vmem>>) target_semaphore(%run_scoped3A : memref<!tpu.dma_semaphore, #tpu.memory_space<semaphore_mem>>)
      tpu.wait_dma2 semaphore(%run_scoped3A : memref<!tpu.dma_semaphore, #tpu.memory_space<semaphore_mem>>) src(%arg4 : memref<16400xf32, #tpu.memory_space<hbm>>) dst(%arg7 : memref<16400xf32, #tpu.memory_space<vmem>>)
      tpu.yield
    }) : () -> ()
    %iota3A = tpu.iota {dimensions = array<i32: 0>} : vector<16xi32>
    %add3A_33 = arith.constant 0 : i32
    %add3A_34 = arith.addi %mul3A_32, %add3A_33 : i32
    %dma_start3A = arith.constant 0 : i32
    %dma_start3A_35 = tpu.memref_slice %arg2[%select_n3A, %add3A_34, %dma_start3A] : memref<2x4096x2048xf32, #tpu.memory_space<hbm>> -> memref<1x4x2048xf32, #tpu.memory_space<hbm>>
    %dma_start3A_36 = tpu.memref_squeeze %dma_start3A_35 : memref<1x4x2048xf32, #tpu.memory_space<hbm>> -> memref<4x2048xf32, #tpu.memory_space<hbm>>
    %dma_start3A_37 = arith.constant 0 : i32
    %dma_start3A_38 = tpu.memref_slice %arg2[%select_n3A, %add3A_34, %dma_start3A_37] : memref<2x4096x2048xf32, #tpu.memory_space<hbm>> -> memref<1x4x2048xf32, #tpu.memory_space<hbm>>
    %dma_start3A_39 = tpu.memref_squeeze %dma_start3A_38 : memref<1x4x2048xf32, #tpu.memory_space<hbm>> -> memref<4x2048xf32, #tpu.memory_space<hbm>>
    tpu.enqueue_dma source(%dma_start3A_39 : memref<4x2048xf32, #tpu.memory_space<hbm>>) target(%arg8 : memref<4x2048xf32, #tpu.memory_space<vmem>>) target_semaphore(%arg16 : memref<!tpu.dma_semaphore, #tpu.memory_space<semaphore_mem>>)
    %add3A_40 = arith.constant 4 : i32
    %add3A_41 = arith.addi %mul3A_32, %add3A_40 : i32
    %dma_start3A_42 = arith.constant 0 : i32
    %dma_start3A_43 = tpu.memref_slice %arg2[%select_n3A, %add3A_41, %dma_start3A_42] : memref<2x4096x2048xf32, #tpu.memory_space<hbm>> -> memref<1x4x2048xf32, #tpu.memory_space<hbm>>
    %dma_start3A_44 = tpu.memref_squeeze %dma_start3A_43 : memref<1x4x2048xf32, #tpu.memory_space<hbm>> -> memref<4x2048xf32, #tpu.memory_space<hbm>>
    %dma_start3A_45 = arith.constant 0 : i32
    %dma_start3A_46 = tpu.memref_slice %arg2[%select_n3A, %add3A_41, %dma_start3A_45] : memref<2x4096x2048xf32, #tpu.memory_space<hbm>> -> memref<1x4x2048xf32, #tpu.memory_space<hbm>>
    %dma_start3A_47 = tpu.memref_squeeze %dma_start3A_46 : memref<1x4x2048xf32, #tpu.memory_space<hbm>> -> memref<4x2048xf32, #tpu.memory_space<hbm>>
    tpu.enqueue_dma source(%dma_start3A_47 : memref<4x2048xf32, #tpu.memory_space<hbm>>) target(%arg9 : memref<4x2048xf32, #tpu.memory_space<vmem>>) target_semaphore(%arg17 : memref<!tpu.dma_semaphore, #tpu.memory_space<semaphore_mem>>)
    %add3A_48 = arith.constant 8 : i32
    %add3A_49 = arith.addi %mul3A_32, %add3A_48 : i32
    %dma_start3A_50 = arith.constant 0 : i32
    %dma_start3A_51 = tpu.memref_slice %arg2[%select_n3A, %add3A_49, %dma_start3A_50] : memref<2x4096x2048xf32, #tpu.memory_space<hbm>> -> memref<1x4x2048xf32, #tpu.memory_space<hbm>>
    %dma_start3A_52 = tpu.memref_squeeze %dma_start3A_51 : memref<1x4x2048xf32, #tpu.memory_space<hbm>> -> memref<4x2048xf32, #tpu.memory_space<hbm>>
    %dma_start3A_53 = arith.constant 0 : i32
    %dma_start3A_54 = tpu.memref_slice %arg2[%select_n3A, %add3A_49, %dma_start3A_53] : memref<2x4096x2048xf32, #tpu.memory_space<hbm>> -> memref<1x4x2048xf32, #tpu.memory_space<hbm>>
    %dma_start3A_55 = tpu.memref_squeeze %dma_start3A_54 : memref<1x4x2048xf32, #tpu.memory_space<hbm>> -> memref<4x2048xf32, #tpu.memory_space<hbm>>
    tpu.enqueue_dma source(%dma_start3A_55 : memref<4x2048xf32, #tpu.memory_space<hbm>>) target(%arg10 : memref<4x2048xf32, #tpu.memory_space<vmem>>) target_semaphore(%arg18 : memref<!tpu.dma_semaphore, #tpu.memory_space<semaphore_mem>>)
    %add3A_56 = arith.constant 12 : i32
    %add3A_57 = arith.addi %mul3A_32, %add3A_56 : i32
    %dma_start3A_58 = arith.constant 0 : i32
    %dma_start3A_59 = tpu.memref_slice %arg2[%select_n3A, %add3A_57, %dma_start3A_58] : memref<2x4096x2048xf32, #tpu.memory_space<hbm>> -> memref<1x4x2048xf32, #tpu.memory_space<hbm>>
    %dma_start3A_60 = tpu.memref_squeeze %dma_start3A_59 : memref<1x4x2048xf32, #tpu.memory_space<hbm>> -> memref<4x2048xf32, #tpu.memory_space<hbm>>
    %dma_start3A_61 = arith.constant 0 : i32
    %dma_start3A_62 = tpu.memref_slice %arg2[%select_n3A, %add3A_57, %dma_start3A_61] : memref<2x4096x2048xf32, #tpu.memory_space<hbm>> -> memref<1x4x2048xf32, #tpu.memory_space<hbm>>
    %dma_start3A_63 = tpu.memref_squeeze %dma_start3A_62 : memref<1x4x2048xf32, #tpu.memory_space<hbm>> -> memref<4x2048xf32, #tpu.memory_space<hbm>>
    tpu.enqueue_dma source(%dma_start3A_63 : memref<4x2048xf32, #tpu.memory_space<hbm>>) target(%arg11 : memref<4x2048xf32, #tpu.memory_space<vmem>>) target_semaphore(%arg19 : memref<!tpu.dma_semaphore, #tpu.memory_space<semaphore_mem>>)
    %scan3A = arith.constant 0 : i32
    %scan3A_64 = arith.constant 16 : i32
    %scan3A_65 = arith.addi %scan3A, %scan3A_64 : i32
    %scan3A_66 = arith.constant 1 : i32
    scf.for %scan3A_99 = %scan3A to %scan3A_65 step %scan3A_66  : i32 {
      %mul3A_100 = arith.constant 4 : i32
      %mul3A_101 = arith.muli %scan3A_99, %mul3A_100 : i32
      %add3A_102 = arith.constant 0 : i32
      %add3A_103 = arith.addi %add3A_102, %mul3A_101 : i32
      %add3A_104 = arith.constant 0 : i32
      %add3A_105 = arith.addi %add3A_103, %add3A_104 : i32
      %mul3A_106 = arith.constant 4 : i32
      %mul3A_107 = arith.muli %add3A_105, %mul3A_106 : i32
      %add3A_108 = arith.addi %mul3A_32, %mul3A_107 : i32
      %dma_wait3A_109 = arith.constant 0 : i32
      %dma_wait3A_110 = tpu.memref_slice %arg2[%select_n3A, %add3A_108, %dma_wait3A_109] : memref<2x4096x2048xf32, #tpu.memory_space<hbm>> -> memref<1x4x2048xf32, #tpu.memory_space<hbm>>
      %dma_wait3A_111 = tpu.memref_squeeze %dma_wait3A_110 : memref<1x4x2048xf32, #tpu.memory_space<hbm>> -> memref<4x2048xf32, #tpu.memory_space<hbm>>
      %dma_wait3A_112 = arith.constant 0 : i32
      %dma_wait3A_113 = tpu.memref_slice %arg2[%select_n3A, %add3A_108, %dma_wait3A_112] : memref<2x4096x2048xf32, #tpu.memory_space<hbm>> -> memref<1x4x2048xf32, #tpu.memory_space<hbm>>
      %dma_wait3A_114 = tpu.memref_squeeze %dma_wait3A_113 : memref<1x4x2048xf32, #tpu.memory_space<hbm>> -> memref<4x2048xf32, #tpu.memory_space<hbm>>
      tpu.wait_dma2 semaphore(%arg16 : memref<!tpu.dma_semaphore, #tpu.memory_space<semaphore_mem>>) src(%dma_wait3A_114 : memref<4x2048xf32, #tpu.memory_space<hbm>>) dst(%arg8 : memref<4x2048xf32, #tpu.memory_space<vmem>>)
      %ge3A = arith.constant 4 : i32
      %ge3A_115 = arith.cmpi sge, %add3A_105, %ge3A : i32
      %convert_element_type3A = arith.extui %ge3A_115 : i1 to i32
      %cond3A = arith.constant 0 : i32
      %cond3A_116 = arith.cmpi ne, %convert_element_type3A, %cond3A : i32
      scf.if %cond3A_116 {
        %sub3A_240 = arith.constant 4 : i32
        %sub3A_241 = arith.subi %add3A_105, %sub3A_240 : i32
        %mul3A_242 = arith.constant 4 : i32
        %mul3A_243 = arith.muli %sub3A_241, %mul3A_242 : i32
        %add3A_244 = arith.addi %mul3A_32, %mul3A_243 : i32
        %dma_wait3A_245 = arith.constant 0 : i32
        %dma_wait3A_246 = tpu.memref_slice %arg5[%select_n3A, %add3A_244, %dma_wait3A_245] : memref<2x4096x2048xf32, #tpu.memory_space<hbm>> -> memref<1x4x2048xf32, #tpu.memory_space<hbm>>
        %dma_wait3A_247 = tpu.memref_squeeze %dma_wait3A_246 : memref<1x4x2048xf32, #tpu.memory_space<hbm>> -> memref<4x2048xf32, #tpu.memory_space<hbm>>
        %dma_wait3A_248 = arith.constant 0 : i32
        %dma_wait3A_249 = tpu.memref_slice %arg5[%select_n3A, %add3A_244, %dma_wait3A_248] : memref<2x4096x2048xf32, #tpu.memory_space<hbm>> -> memref<1x4x2048xf32, #tpu.memory_space<hbm>>
        %dma_wait3A_250 = tpu.memref_squeeze %dma_wait3A_249 : memref<1x4x2048xf32, #tpu.memory_space<hbm>> -> memref<4x2048xf32, #tpu.memory_space<hbm>>
        tpu.wait_dma2 semaphore(%arg20 : memref<!tpu.dma_semaphore, #tpu.memory_space<semaphore_mem>>) src(%arg12 : memref<4x2048xf32, #tpu.memory_space<vmem>>) dst(%dma_wait3A_250 : memref<4x2048xf32, #tpu.memory_space<hbm>>)
      } else {
      }
      %parallel_loop3A = arith.constant 0 : i32
      %parallel_loop3A_117 = arith.constant 8192 : i32
      %parallel_loop3A_118 = arith.constant 16 : i32
      scf.for %parallel_loop3A_240 = %parallel_loop3A to %parallel_loop3A_117 step %parallel_loop3A_118  : i32 {
        %parallel_loop3A_241 = arith.constant 11 : i32
        %parallel_loop3A_242 = arith.shrsi %parallel_loop3A_240, %parallel_loop3A_241 : i32
        %parallel_loop3A_243 = arith.constant 2047 : i32
        %parallel_loop3A_244 = arith.andi %parallel_loop3A_240, %parallel_loop3A_243 : i32
        %parallel_loop3A_245 = arith.index_cast %parallel_loop3A_242 : i32 to index
        %parallel_loop3A_246 = arith.index_cast %parallel_loop3A_244 : i32 to index
        %parallel_loop3A_247 = tpu.vector_load %arg8[%parallel_loop3A_245, %parallel_loop3A_246] {strides = array<i32>} : memref<4x2048xf32, #tpu.memory_space<vmem>>, vector<16xf32>,
        %parallel_loop3A_248 = arith.constant 8.184000e+03 : f32
        %parallel_loop3A_249 = vector.broadcast %parallel_loop3A_248 : f32 to vector<16xf32>
        %parallel_loop3A_250 = arith.mulf %parallel_loop3A_247, %parallel_loop3A_249 : vector<16xf32>
        %parallel_loop3A_251 = arith.constant 0x4B002008 : f32
        %parallel_loop3A_252 = vector.broadcast %parallel_loop3A_251 : f32 to vector<16xf32>
        %parallel_loop3A_253 = arith.addf %parallel_loop3A_250, %parallel_loop3A_252 : vector<16xf32>
        %parallel_loop3A_254 = arith.constant 0x4B000000 : f32
        %parallel_loop3A_255 = vector.broadcast %parallel_loop3A_254 : f32 to vector<16xf32>
        %parallel_loop3A_256 = arith.maximumf %parallel_loop3A_253, %parallel_loop3A_255 : vector<16xf32>
        %parallel_loop3A_257 = arith.constant 0x4B004000 : f32
        %parallel_loop3A_258 = vector.broadcast %parallel_loop3A_257 : f32 to vector<16xf32>
        %parallel_loop3A_259 = arith.minimumf %parallel_loop3A_256, %parallel_loop3A_258 : vector<16xf32>
        %parallel_loop3A_260 = tpu.bitcast %parallel_loop3A_259 : vector<16xf32> -> vector<16xi32>
        %parallel_loop3A_261 = arith.constant 16777200 : i32
        %parallel_loop3A_262 = vector.broadcast %parallel_loop3A_261 : i32 to vector<16xi32>
        %parallel_loop3A_263 = arith.andi %parallel_loop3A_260, %parallel_loop3A_262 : vector<16xi32>
        %parallel_loop3A_264 = arith.ori %parallel_loop3A_263, %iota3A : vector<16xi32>
        %parallel_loop3A_265 = tpu.vector_load_idx %arg6[%parallel_loop3A_264] : memref<16400xf32, #tpu.memory_space<vmem>>[vector<16xi32>], vector<16xf32>,
        %parallel_loop3A_266 = tpu.vector_load_idx %arg7[%parallel_loop3A_264] : memref<16400xf32, #tpu.memory_space<vmem>>[vector<16xi32>], vector<16xf32>,
        %parallel_loop3A_267 = arith.mulf %parallel_loop3A_266, %parallel_loop3A_247 : vector<16xf32>
        %parallel_loop3A_268 = arith.addf %parallel_loop3A_265, %parallel_loop3A_267 : vector<16xf32>
        %parallel_loop3A_269 = arith.index_cast %parallel_loop3A_242 : i32 to index
        %parallel_loop3A_270 = arith.index_cast %parallel_loop3A_244 : i32 to index
        %parallel_loop3A_271 = tpu.vector_load %arg12[%parallel_loop3A_269, %parallel_loop3A_270] {strides = array<i32>} : memref<4x2048xf32, #tpu.memory_space<vmem>>, vector<16xf32>,
        tpu.vector_store %arg12[%parallel_loop3A_269, %parallel_loop3A_270], %parallel_loop3A_268 {strides = array<i32>} : memref<4x2048xf32, #tpu.memory_space<vmem>>, vector<16xf32>,
      } {sc.loop_unroll_factor = 8 : i64, sc.parallel_access}
      %mul3A_119 = arith.constant 4 : i32
      %mul3A_120 = arith.muli %add3A_105, %mul3A_119 : i32
      %add3A_121 = arith.addi %mul3A_32, %mul3A_120 : i32
      %dma_start3A_122 = arith.constant 0 : i32
      %dma_start3A_123 = tpu.memref_slice %arg5[%select_n3A, %add3A_121, %dma_start3A_122] : memref<2x4096x2048xf32, #tpu.memory_space<hbm>> -> memref<1x4x2048xf32, #tpu.memory_space<hbm>>
      %dma_start3A_124 = tpu.memref_squeeze %dma_start3A_123 : memref<1x4x2048xf32, #tpu.memory_space<hbm>> -> memref<4x2048xf32, #tpu.memory_space<hbm>>
      %dma_start3A_125 = arith.constant 0 : i32
      %dma_start3A_126 = tpu.memref_slice %arg5[%select_n3A, %add3A_121, %dma_start3A_125] : memref<2x4096x2048xf32, #tpu.memory_space<hbm>> -> memref<1x4x2048xf32, #tpu.memory_space<hbm>>
      %dma_start3A_127 = tpu.memref_squeeze %dma_start3A_126 : memref<1x4x2048xf32, #tpu.memory_space<hbm>> -> memref<4x2048xf32, #tpu.memory_space<hbm>>
      tpu.enqueue_dma source(%arg12 : memref<4x2048xf32, #tpu.memory_space<vmem>>) target(%dma_start3A_127 : memref<4x2048xf32, #tpu.memory_space<hbm>>) target_semaphore(%arg20 : memref<!tpu.dma_semaphore, #tpu.memory_space<semaphore_mem>>)
      %add3A_128 = arith.constant 4 : i32
      %add3A_129 = arith.addi %add3A_105, %add3A_128 : i32
      %lt3A_130 = arith.constant 64 : i32
      %lt3A_131 = arith.cmpi slt, %add3A_129, %lt3A_130 : i32
      %convert_element_type3A_132 = arith.extui %lt3A_131 : i1 to i32
      %cond3A_133 = arith.constant 0 : i32
      %cond3A_134 = arith.cmpi ne, %convert_element_type3A_132, %cond3A_133 : i32
      scf.if %cond3A_134 {
        %add3A_240 = arith.constant 4 : i32
        %add3A_241 = arith.addi %add3A_105, %add3A_240 : i32
        %mul3A_242 = arith.constant 4 : i32
        %mul3A_243 = arith.muli %add3A_241, %mul3A_242 : i32
        %add3A_244 = arith.addi %mul3A_32, %mul3A_243 : i32
        %dma_start3A_245 = arith.constant 0 : i32
        %dma_start3A_246 = tpu.memref_slice %arg2[%select_n3A, %add3A_244, %dma_start3A_245] : memref<2x4096x2048xf32, #tpu.memory_space<hbm>> -> memref<1x4x2048xf32, #tpu.memory_space<hbm>>
        %dma_start3A_247 = tpu.memref_squeeze %dma_start3A_246 : memref<1x4x2048xf32, #tpu.memory_space<hbm>> -> memref<4x2048xf32, #tpu.memory_space<hbm>>
        %dma_start3A_248 = arith.constant 0 : i32
        %dma_start3A_249 = tpu.memref_slice %arg2[%select_n3A, %add3A_244, %dma_start3A_248] : memref<2x4096x2048xf32, #tpu.memory_space<hbm>> -> memref<1x4x2048xf32, #tpu.memory_space<hbm>>
        %dma_start3A_250 = tpu.memref_squeeze %dma_start3A_249 : memref<1x4x2048xf32, #tpu.memory_space<hbm>> -> memref<4x2048xf32, #tpu.memory_space<hbm>>
        tpu.enqueue_dma source(%dma_start3A_250 : memref<4x2048xf32, #tpu.memory_space<hbm>>) target(%arg8 : memref<4x2048xf32, #tpu.memory_space<vmem>>) target_semaphore(%arg16 : memref<!tpu.dma_semaphore, #tpu.memory_space<semaphore_mem>>)
      } else {
      }
      %add3A_135 = arith.constant 1 : i32
      %add3A_136 = arith.addi %add3A_103, %add3A_135 : i32
      %mul3A_137 = arith.constant 4 : i32
      %mul3A_138 = arith.muli %add3A_136, %mul3A_137 : i32
      %add3A_139 = arith.addi %mul3A_32, %mul3A_138 : i32
      %dma_wait3A_140 = arith.constant 0 : i32
      %dma_wait3A_141 = tpu.memref_slice %arg2[%select_n3A, %add3A_139, %dma_wait3A_140] : memref<2x4096x2048xf32, #tpu.memory_space<hbm>> -> memref<1x4x2048xf32, #tpu.memory_space<hbm>>
      %dma_wait3A_142 = tpu.memref_squeeze %dma_wait3A_141 : memref<1x4x2048xf32, #tpu.memory_space<hbm>> -> memref<4x2048xf32, #tpu.memory_space<hbm>>
      %dma_wait3A_143 = arith.constant 0 : i32
      %dma_wait3A_144 = tpu.memref_slice %arg2[%select_n3A, %add3A_139, %dma_wait3A_143] : memref<2x4096x2048xf32, #tpu.memory_space<hbm>> -> memref<1x4x2048xf32, #tpu.memory_space<hbm>>
      %dma_wait3A_145 = tpu.memref_squeeze %dma_wait3A_144 : memref<1x4x2048xf32, #tpu.memory_space<hbm>> -> memref<4x2048xf32, #tpu.memory_space<hbm>>
      tpu.wait_dma2 semaphore(%arg17 : memref<!tpu.dma_semaphore, #tpu.memory_space<semaphore_mem>>) src(%dma_wait3A_145 : memref<4x2048xf32, #tpu.memory_space<hbm>>) dst(%arg9 : memref<4x2048xf32, #tpu.memory_space<vmem>>)
      %ge3A_146 = arith.constant 4 : i32
      %ge3A_147 = arith.cmpi sge, %add3A_136, %ge3A_146 : i32
      %convert_element_type3A_148 = arith.extui %ge3A_147 : i1 to i32
      %cond3A_149 = arith.constant 0 : i32
      %cond3A_150 = arith.cmpi ne, %convert_element_type3A_148, %cond3A_149 : i32
      scf.if %cond3A_150 {
        %sub3A_240 = arith.constant 4 : i32
        %sub3A_241 = arith.subi %add3A_136, %sub3A_240 : i32
        %mul3A_242 = arith.constant 4 : i32
        %mul3A_243 = arith.muli %sub3A_241, %mul3A_242 : i32
        %add3A_244 = arith.addi %mul3A_32, %mul3A_243 : i32
        %dma_wait3A_245 = arith.constant 0 : i32
        %dma_wait3A_246 = tpu.memref_slice %arg5[%select_n3A, %add3A_244, %dma_wait3A_245] : memref<2x4096x2048xf32, #tpu.memory_space<hbm>> -> memref<1x4x2048xf32, #tpu.memory_space<hbm>>
        %dma_wait3A_247 = tpu.memref_squeeze %dma_wait3A_246 : memref<1x4x2048xf32, #tpu.memory_space<hbm>> -> memref<4x2048xf32, #tpu.memory_space<hbm>>
        %dma_wait3A_248 = arith.constant 0 : i32
        %dma_wait3A_249 = tpu.memref_slice %arg5[%select_n3A, %add3A_244, %dma_wait3A_248] : memref<2x4096x2048xf32, #tpu.memory_space<hbm>> -> memref<1x4x2048xf32, #tpu.memory_space<hbm>>
        %dma_wait3A_250 = tpu.memref_squeeze %dma_wait3A_249 : memref<1x4x2048xf32, #tpu.memory_space<hbm>> -> memref<4x2048xf32, #tpu.memory_space<hbm>>
        tpu.wait_dma2 semaphore(%arg21 : memref<!tpu.dma_semaphore, #tpu.memory_space<semaphore_mem>>) src(%arg13 : memref<4x2048xf32, #tpu.memory_space<vmem>>) dst(%dma_wait3A_250 : memref<4x2048xf32, #tpu.memory_space<hbm>>)
      } else {
      }
      %parallel_loop3A_151 = arith.constant 0 : i32
      %parallel_loop3A_152 = arith.constant 8192 : i32
      %parallel_loop3A_153 = arith.constant 16 : i32
      scf.for %parallel_loop3A_240 = %parallel_loop3A_151 to %parallel_loop3A_152 step %parallel_loop3A_153  : i32 {
        %parallel_loop3A_241 = arith.constant 11 : i32
        %parallel_loop3A_242 = arith.shrsi %parallel_loop3A_240, %parallel_loop3A_241 : i32
        %parallel_loop3A_243 = arith.constant 2047 : i32
        %parallel_loop3A_244 = arith.andi %parallel_loop3A_240, %parallel_loop3A_243 : i32
        %parallel_loop3A_245 = arith.index_cast %parallel_loop3A_242 : i32 to index
        %parallel_loop3A_246 = arith.index_cast %parallel_loop3A_244 : i32 to index
        %parallel_loop3A_247 = tpu.vector_load %arg9[%parallel_loop3A_245, %parallel_loop3A_246] {strides = array<i32>} : memref<4x2048xf32, #tpu.memory_space<vmem>>, vector<16xf32>,
        %parallel_loop3A_248 = arith.constant 8.184000e+03 : f32
        %parallel_loop3A_249 = vector.broadcast %parallel_loop3A_248 : f32 to vector<16xf32>
        %parallel_loop3A_250 = arith.mulf %parallel_loop3A_247, %parallel_loop3A_249 : vector<16xf32>
        %parallel_loop3A_251 = arith.constant 0x4B002008 : f32
        %parallel_loop3A_252 = vector.broadcast %parallel_loop3A_251 : f32 to vector<16xf32>
        %parallel_loop3A_253 = arith.addf %parallel_loop3A_250, %parallel_loop3A_252 : vector<16xf32>
        %parallel_loop3A_254 = arith.constant 0x4B000000 : f32
        %parallel_loop3A_255 = vector.broadcast %parallel_loop3A_254 : f32 to vector<16xf32>
        %parallel_loop3A_256 = arith.maximumf %parallel_loop3A_253, %parallel_loop3A_255 : vector<16xf32>
        %parallel_loop3A_257 = arith.constant 0x4B004000 : f32
        %parallel_loop3A_258 = vector.broadcast %parallel_loop3A_257 : f32 to vector<16xf32>
        %parallel_loop3A_259 = arith.minimumf %parallel_loop3A_256, %parallel_loop3A_258 : vector<16xf32>
        %parallel_loop3A_260 = tpu.bitcast %parallel_loop3A_259 : vector<16xf32> -> vector<16xi32>
        %parallel_loop3A_261 = arith.constant 16777200 : i32
        %parallel_loop3A_262 = vector.broadcast %parallel_loop3A_261 : i32 to vector<16xi32>
        %parallel_loop3A_263 = arith.andi %parallel_loop3A_260, %parallel_loop3A_262 : vector<16xi32>
        %parallel_loop3A_264 = arith.ori %parallel_loop3A_263, %iota3A : vector<16xi32>
        %parallel_loop3A_265 = tpu.vector_load_idx %arg6[%parallel_loop3A_264] : memref<16400xf32, #tpu.memory_space<vmem>>[vector<16xi32>], vector<16xf32>,
        %parallel_loop3A_266 = tpu.vector_load_idx %arg7[%parallel_loop3A_264] : memref<16400xf32, #tpu.memory_space<vmem>>[vector<16xi32>], vector<16xf32>,
        %parallel_loop3A_267 = arith.mulf %parallel_loop3A_266, %parallel_loop3A_247 : vector<16xf32>
        %parallel_loop3A_268 = arith.addf %parallel_loop3A_265, %parallel_loop3A_267 : vector<16xf32>
        %parallel_loop3A_269 = arith.index_cast %parallel_loop3A_242 : i32 to index
        %parallel_loop3A_270 = arith.index_cast %parallel_loop3A_244 : i32 to index
        %parallel_loop3A_271 = tpu.vector_load %arg13[%parallel_loop3A_269, %parallel_loop3A_270] {strides = array<i32>} : memref<4x2048xf32, #tpu.memory_space<vmem>>, vector<16xf32>,
        tpu.vector_store %arg13[%parallel_loop3A_269, %parallel_loop3A_270], %parallel_loop3A_268 {strides = array<i32>} : memref<4x2048xf32, #tpu.memory_space<vmem>>, vector<16xf32>,
      } {sc.loop_unroll_factor = 8 : i64, sc.parallel_access}
      %mul3A_154 = arith.constant 4 : i32
      %mul3A_155 = arith.muli %add3A_136, %mul3A_154 : i32
      %add3A_156 = arith.addi %mul3A_32, %mul3A_155 : i32
      %dma_start3A_157 = arith.constant 0 : i32
      %dma_start3A_158 = tpu.memref_slice %arg5[%select_n3A, %add3A_156, %dma_start3A_157] : memref<2x4096x2048xf32, #tpu.memory_space<hbm>> -> memref<1x4x2048xf32, #tpu.memory_space<hbm>>
      %dma_start3A_159 = tpu.memref_squeeze %dma_start3A_158 : memref<1x4x2048xf32, #tpu.memory_space<hbm>> -> memref<4x2048xf32, #tpu.memory_space<hbm>>
      %dma_start3A_160 = arith.constant 0 : i32
      %dma_start3A_161 = tpu.memref_slice %arg5[%select_n3A, %add3A_156, %dma_start3A_160] : memref<2x4096x2048xf32, #tpu.memory_space<hbm>> -> memref<1x4x2048xf32, #tpu.memory_space<hbm>>
      %dma_start3A_162 = tpu.memref_squeeze %dma_start3A_161 : memref<1x4x2048xf32, #tpu.memory_space<hbm>> -> memref<4x2048xf32, #tpu.memory_space<hbm>>
      tpu.enqueue_dma source(%arg13 : memref<4x2048xf32, #tpu.memory_space<vmem>>) target(%dma_start3A_162 : memref<4x2048xf32, #tpu.memory_space<hbm>>) target_semaphore(%arg21 : memref<!tpu.dma_semaphore, #tpu.memory_space<semaphore_mem>>)
      %add3A_163 = arith.constant 4 : i32
      %add3A_164 = arith.addi %add3A_136, %add3A_163 : i32
      %lt3A_165 = arith.constant 64 : i32
      %lt3A_166 = arith.cmpi slt, %add3A_164, %lt3A_165 : i32
      %convert_element_type3A_167 = arith.extui %lt3A_166 : i1 to i32
      %cond3A_168 = arith.constant 0 : i32
      %cond3A_169 = arith.cmpi ne, %convert_element_type3A_167, %cond3A_168 : i32
      scf.if %cond3A_169 {
        %add3A_240 = arith.constant 4 : i32
        %add3A_241 = arith.addi %add3A_136, %add3A_240 : i32
        %mul3A_242 = arith.constant 4 : i32
        %mul3A_243 = arith.muli %add3A_241, %mul3A_242 : i32
        %add3A_244 = arith.addi %mul3A_32, %mul3A_243 : i32
        %dma_start3A_245 = arith.constant 0 : i32
        %dma_start3A_246 = tpu.memref_slice %arg2[%select_n3A, %add3A_244, %dma_start3A_245] : memref<2x4096x2048xf32, #tpu.memory_space<hbm>> -> memref<1x4x2048xf32, #tpu.memory_space<hbm>>
        %dma_start3A_247 = tpu.memref_squeeze %dma_start3A_246 : memref<1x4x2048xf32, #tpu.memory_space<hbm>> -> memref<4x2048xf32, #tpu.memory_space<hbm>>
        %dma_start3A_248 = arith.constant 0 : i32
        %dma_start3A_249 = tpu.memref_slice %arg2[%select_n3A, %add3A_244, %dma_start3A_248] : memref<2x4096x2048xf32, #tpu.memory_space<hbm>> -> memref<1x4x2048xf32, #tpu.memory_space<hbm>>
        %dma_start3A_250 = tpu.memref_squeeze %dma_start3A_249 : memref<1x4x2048xf32, #tpu.memory_space<hbm>> -> memref<4x2048xf32, #tpu.memory_space<hbm>>
        tpu.enqueue_dma source(%dma_start3A_250 : memref<4x2048xf32, #tpu.memory_space<hbm>>) target(%arg9 : memref<4x2048xf32, #tpu.memory_space<vmem>>) target_semaphore(%arg17 : memref<!tpu.dma_semaphore, #tpu.memory_space<semaphore_mem>>)
      } else {
      }
      %add3A_170 = arith.constant 2 : i32
      %add3A_171 = arith.addi %add3A_103, %add3A_170 : i32
      %mul3A_172 = arith.constant 4 : i32
      %mul3A_173 = arith.muli %add3A_171, %mul3A_172 : i32
      %add3A_174 = arith.addi %mul3A_32, %mul3A_173 : i32
      %dma_wait3A_175 = arith.constant 0 : i32
      %dma_wait3A_176 = tpu.memref_slice %arg2[%select_n3A, %add3A_174, %dma_wait3A_175] : memref<2x4096x2048xf32, #tpu.memory_space<hbm>> -> memref<1x4x2048xf32, #tpu.memory_space<hbm>>
      %dma_wait3A_177 = tpu.memref_squeeze %dma_wait3A_176 : memref<1x4x2048xf32, #tpu.memory_space<hbm>> -> memref<4x2048xf32, #tpu.memory_space<hbm>>
      %dma_wait3A_178 = arith.constant 0 : i32
      %dma_wait3A_179 = tpu.memref_slice %arg2[%select_n3A, %add3A_174, %dma_wait3A_178] : memref<2x4096x2048xf32, #tpu.memory_space<hbm>> -> memref<1x4x2048xf32, #tpu.memory_space<hbm>>
      %dma_wait3A_180 = tpu.memref_squeeze %dma_wait3A_179 : memref<1x4x2048xf32, #tpu.memory_space<hbm>> -> memref<4x2048xf32, #tpu.memory_space<hbm>>
      tpu.wait_dma2 semaphore(%arg18 : memref<!tpu.dma_semaphore, #tpu.memory_space<semaphore_mem>>) src(%dma_wait3A_180 : memref<4x2048xf32, #tpu.memory_space<hbm>>) dst(%arg10 : memref<4x2048xf32, #tpu.memory_space<vmem>>)
      %ge3A_181 = arith.constant 4 : i32
      %ge3A_182 = arith.cmpi sge, %add3A_171, %ge3A_181 : i32
      %convert_element_type3A_183 = arith.extui %ge3A_182 : i1 to i32
      %cond3A_184 = arith.constant 0 : i32
      %cond3A_185 = arith.cmpi ne, %convert_element_type3A_183, %cond3A_184 : i32
      scf.if %cond3A_185 {
        %sub3A_240 = arith.constant 4 : i32
        %sub3A_241 = arith.subi %add3A_171, %sub3A_240 : i32
        %mul3A_242 = arith.constant 4 : i32
        %mul3A_243 = arith.muli %sub3A_241, %mul3A_242 : i32
        %add3A_244 = arith.addi %mul3A_32, %mul3A_243 : i32
        %dma_wait3A_245 = arith.constant 0 : i32
        %dma_wait3A_246 = tpu.memref_slice %arg5[%select_n3A, %add3A_244, %dma_wait3A_245] : memref<2x4096x2048xf32, #tpu.memory_space<hbm>> -> memref<1x4x2048xf32, #tpu.memory_space<hbm>>
        %dma_wait3A_247 = tpu.memref_squeeze %dma_wait3A_246 : memref<1x4x2048xf32, #tpu.memory_space<hbm>> -> memref<4x2048xf32, #tpu.memory_space<hbm>>
        %dma_wait3A_248 = arith.constant 0 : i32
        %dma_wait3A_249 = tpu.memref_slice %arg5[%select_n3A, %add3A_244, %dma_wait3A_248] : memref<2x4096x2048xf32, #tpu.memory_space<hbm>> -> memref<1x4x2048xf32, #tpu.memory_space<hbm>>
        %dma_wait3A_250 = tpu.memref_squeeze %dma_wait3A_249 : memref<1x4x2048xf32, #tpu.memory_space<hbm>> -> memref<4x2048xf32, #tpu.memory_space<hbm>>
        tpu.wait_dma2 semaphore(%arg22 : memref<!tpu.dma_semaphore, #tpu.memory_space<semaphore_mem>>) src(%arg14 : memref<4x2048xf32, #tpu.memory_space<vmem>>) dst(%dma_wait3A_250 : memref<4x2048xf32, #tpu.memory_space<hbm>>)
      } else {
      }
      %parallel_loop3A_186 = arith.constant 0 : i32
      %parallel_loop3A_187 = arith.constant 8192 : i32
      %parallel_loop3A_188 = arith.constant 16 : i32
      scf.for %parallel_loop3A_240 = %parallel_loop3A_186 to %parallel_loop3A_187 step %parallel_loop3A_188  : i32 {
        %parallel_loop3A_241 = arith.constant 11 : i32
        %parallel_loop3A_242 = arith.shrsi %parallel_loop3A_240, %parallel_loop3A_241 : i32
        %parallel_loop3A_243 = arith.constant 2047 : i32
        %parallel_loop3A_244 = arith.andi %parallel_loop3A_240, %parallel_loop3A_243 : i32
        %parallel_loop3A_245 = arith.index_cast %parallel_loop3A_242 : i32 to index
        %parallel_loop3A_246 = arith.index_cast %parallel_loop3A_244 : i32 to index
        %parallel_loop3A_247 = tpu.vector_load %arg10[%parallel_loop3A_245, %parallel_loop3A_246] {strides = array<i32>} : memref<4x2048xf32, #tpu.memory_space<vmem>>, vector<16xf32>,
        %parallel_loop3A_248 = arith.constant 8.184000e+03 : f32
        %parallel_loop3A_249 = vector.broadcast %parallel_loop3A_248 : f32 to vector<16xf32>
        %parallel_loop3A_250 = arith.mulf %parallel_loop3A_247, %parallel_loop3A_249 : vector<16xf32>
        %parallel_loop3A_251 = arith.constant 0x4B002008 : f32
        %parallel_loop3A_252 = vector.broadcast %parallel_loop3A_251 : f32 to vector<16xf32>
        %parallel_loop3A_253 = arith.addf %parallel_loop3A_250, %parallel_loop3A_252 : vector<16xf32>
        %parallel_loop3A_254 = arith.constant 0x4B000000 : f32
        %parallel_loop3A_255 = vector.broadcast %parallel_loop3A_254 : f32 to vector<16xf32>
        %parallel_loop3A_256 = arith.maximumf %parallel_loop3A_253, %parallel_loop3A_255 : vector<16xf32>
        %parallel_loop3A_257 = arith.constant 0x4B004000 : f32
        %parallel_loop3A_258 = vector.broadcast %parallel_loop3A_257 : f32 to vector<16xf32>
        %parallel_loop3A_259 = arith.minimumf %parallel_loop3A_256, %parallel_loop3A_258 : vector<16xf32>
        %parallel_loop3A_260 = tpu.bitcast %parallel_loop3A_259 : vector<16xf32> -> vector<16xi32>
        %parallel_loop3A_261 = arith.constant 16777200 : i32
        %parallel_loop3A_262 = vector.broadcast %parallel_loop3A_261 : i32 to vector<16xi32>
        %parallel_loop3A_263 = arith.andi %parallel_loop3A_260, %parallel_loop3A_262 : vector<16xi32>
        %parallel_loop3A_264 = arith.ori %parallel_loop3A_263, %iota3A : vector<16xi32>
        %parallel_loop3A_265 = tpu.vector_load_idx %arg6[%parallel_loop3A_264] : memref<16400xf32, #tpu.memory_space<vmem>>[vector<16xi32>], vector<16xf32>,
        %parallel_loop3A_266 = tpu.vector_load_idx %arg7[%parallel_loop3A_264] : memref<16400xf32, #tpu.memory_space<vmem>>[vector<16xi32>], vector<16xf32>,
        %parallel_loop3A_267 = arith.mulf %parallel_loop3A_266, %parallel_loop3A_247 : vector<16xf32>
        %parallel_loop3A_268 = arith.addf %parallel_loop3A_265, %parallel_loop3A_267 : vector<16xf32>
        %parallel_loop3A_269 = arith.index_cast %parallel_loop3A_242 : i32 to index
        %parallel_loop3A_270 = arith.index_cast %parallel_loop3A_244 : i32 to index
        %parallel_loop3A_271 = tpu.vector_load %arg14[%parallel_loop3A_269, %parallel_loop3A_270] {strides = array<i32>} : memref<4x2048xf32, #tpu.memory_space<vmem>>, vector<16xf32>,
        tpu.vector_store %arg14[%parallel_loop3A_269, %parallel_loop3A_270], %parallel_loop3A_268 {strides = array<i32>} : memref<4x2048xf32, #tpu.memory_space<vmem>>, vector<16xf32>,
      } {sc.loop_unroll_factor = 8 : i64, sc.parallel_access}
      %mul3A_189 = arith.constant 4 : i32
      %mul3A_190 = arith.muli %add3A_171, %mul3A_189 : i32
      %add3A_191 = arith.addi %mul3A_32, %mul3A_190 : i32
      %dma_start3A_192 = arith.constant 0 : i32
      %dma_start3A_193 = tpu.memref_slice %arg5[%select_n3A, %add3A_191, %dma_start3A_192] : memref<2x4096x2048xf32, #tpu.memory_space<hbm>> -> memref<1x4x2048xf32, #tpu.memory_space<hbm>>
      %dma_start3A_194 = tpu.memref_squeeze %dma_start3A_193 : memref<1x4x2048xf32, #tpu.memory_space<hbm>> -> memref<4x2048xf32, #tpu.memory_space<hbm>>
      %dma_start3A_195 = arith.constant 0 : i32
      %dma_start3A_196 = tpu.memref_slice %arg5[%select_n3A, %add3A_191, %dma_start3A_195] : memref<2x4096x2048xf32, #tpu.memory_space<hbm>> -> memref<1x4x2048xf32, #tpu.memory_space<hbm>>
      %dma_start3A_197 = tpu.memref_squeeze %dma_start3A_196 : memref<1x4x2048xf32, #tpu.memory_space<hbm>> -> memref<4x2048xf32, #tpu.memory_space<hbm>>
      tpu.enqueue_dma source(%arg14 : memref<4x2048xf32, #tpu.memory_space<vmem>>) target(%dma_start3A_197 : memref<4x2048xf32, #tpu.memory_space<hbm>>) target_semaphore(%arg22 : memref<!tpu.dma_semaphore, #tpu.memory_space<semaphore_mem>>)
      %add3A_198 = arith.constant 4 : i32
      %add3A_199 = arith.addi %add3A_171, %add3A_198 : i32
      %lt3A_200 = arith.constant 64 : i32
      %lt3A_201 = arith.cmpi slt, %add3A_199, %lt3A_200 : i32
      %convert_element_type3A_202 = arith.extui %lt3A_201 : i1 to i32
      %cond3A_203 = arith.constant 0 : i32
      %cond3A_204 = arith.cmpi ne, %convert_element_type3A_202, %cond3A_203 : i32
      scf.if %cond3A_204 {
        %add3A_240 = arith.constant 4 : i32
        %add3A_241 = arith.addi %add3A_171, %add3A_240 : i32
        %mul3A_242 = arith.constant 4 : i32
        %mul3A_243 = arith.muli %add3A_241, %mul3A_242 : i32
        %add3A_244 = arith.addi %mul3A_32, %mul3A_243 : i32
        %dma_start3A_245 = arith.constant 0 : i32
        %dma_start3A_246 = tpu.memref_slice %arg2[%select_n3A, %add3A_244, %dma_start3A_245] : memref<2x4096x2048xf32, #tpu.memory_space<hbm>> -> memref<1x4x2048xf32, #tpu.memory_space<hbm>>
        %dma_start3A_247 = tpu.memref_squeeze %dma_start3A_246 : memref<1x4x2048xf32, #tpu.memory_space<hbm>> -> memref<4x2048xf32, #tpu.memory_space<hbm>>
        %dma_start3A_248 = arith.constant 0 : i32
        %dma_start3A_249 = tpu.memref_slice %arg2[%select_n3A, %add3A_244, %dma_start3A_248] : memref<2x4096x2048xf32, #tpu.memory_space<hbm>> -> memref<1x4x2048xf32, #tpu.memory_space<hbm>>
        %dma_start3A_250 = tpu.memref_squeeze %dma_start3A_249 : memref<1x4x2048xf32, #tpu.memory_space<hbm>> -> memref<4x2048xf32, #tpu.memory_space<hbm>>
        tpu.enqueue_dma source(%dma_start3A_250 : memref<4x2048xf32, #tpu.memory_space<hbm>>) target(%arg10 : memref<4x2048xf32, #tpu.memory_space<vmem>>) target_semaphore(%arg18 : memref<!tpu.dma_semaphore, #tpu.memory_space<semaphore_mem>>)
      } else {
      }
      %add3A_205 = arith.constant 3 : i32
      %add3A_206 = arith.addi %add3A_103, %add3A_205 : i32
      %mul3A_207 = arith.constant 4 : i32
      %mul3A_208 = arith.muli %add3A_206, %mul3A_207 : i32
      %add3A_209 = arith.addi %mul3A_32, %mul3A_208 : i32
      %dma_wait3A_210 = arith.constant 0 : i32
      %dma_wait3A_211 = tpu.memref_slice %arg2[%select_n3A, %add3A_209, %dma_wait3A_210] : memref<2x4096x2048xf32, #tpu.memory_space<hbm>> -> memref<1x4x2048xf32, #tpu.memory_space<hbm>>
      %dma_wait3A_212 = tpu.memref_squeeze %dma_wait3A_211 : memref<1x4x2048xf32, #tpu.memory_space<hbm>> -> memref<4x2048xf32, #tpu.memory_space<hbm>>
      %dma_wait3A_213 = arith.constant 0 : i32
      %dma_wait3A_214 = tpu.memref_slice %arg2[%select_n3A, %add3A_209, %dma_wait3A_213] : memref<2x4096x2048xf32, #tpu.memory_space<hbm>> -> memref<1x4x2048xf32, #tpu.memory_space<hbm>>
      %dma_wait3A_215 = tpu.memref_squeeze %dma_wait3A_214 : memref<1x4x2048xf32, #tpu.memory_space<hbm>> -> memref<4x2048xf32, #tpu.memory_space<hbm>>
      tpu.wait_dma2 semaphore(%arg19 : memref<!tpu.dma_semaphore, #tpu.memory_space<semaphore_mem>>) src(%dma_wait3A_215 : memref<4x2048xf32, #tpu.memory_space<hbm>>) dst(%arg11 : memref<4x2048xf32, #tpu.memory_space<vmem>>)
      %ge3A_216 = arith.constant 4 : i32
      %ge3A_217 = arith.cmpi sge, %add3A_206, %ge3A_216 : i32
      %convert_element_type3A_218 = arith.extui %ge3A_217 : i1 to i32
      %cond3A_219 = arith.constant 0 : i32
      %cond3A_220 = arith.cmpi ne, %convert_element_type3A_218, %cond3A_219 : i32
      scf.if %cond3A_220 {
        %sub3A_240 = arith.constant 4 : i32
        %sub3A_241 = arith.subi %add3A_206, %sub3A_240 : i32
        %mul3A_242 = arith.constant 4 : i32
        %mul3A_243 = arith.muli %sub3A_241, %mul3A_242 : i32
        %add3A_244 = arith.addi %mul3A_32, %mul3A_243 : i32
        %dma_wait3A_245 = arith.constant 0 : i32
        %dma_wait3A_246 = tpu.memref_slice %arg5[%select_n3A, %add3A_244, %dma_wait3A_245] : memref<2x4096x2048xf32, #tpu.memory_space<hbm>> -> memref<1x4x2048xf32, #tpu.memory_space<hbm>>
        %dma_wait3A_247 = tpu.memref_squeeze %dma_wait3A_246 : memref<1x4x2048xf32, #tpu.memory_space<hbm>> -> memref<4x2048xf32, #tpu.memory_space<hbm>>
        %dma_wait3A_248 = arith.constant 0 : i32
        %dma_wait3A_249 = tpu.memref_slice %arg5[%select_n3A, %add3A_244, %dma_wait3A_248] : memref<2x4096x2048xf32, #tpu.memory_space<hbm>> -> memref<1x4x2048xf32, #tpu.memory_space<hbm>>
        %dma_wait3A_250 = tpu.memref_squeeze %dma_wait3A_249 : memref<1x4x2048xf32, #tpu.memory_space<hbm>> -> memref<4x2048xf32, #tpu.memory_space<hbm>>
        tpu.wait_dma2 semaphore(%arg23 : memref<!tpu.dma_semaphore, #tpu.memory_space<semaphore_mem>>) src(%arg15 : memref<4x2048xf32, #tpu.memory_space<vmem>>) dst(%dma_wait3A_250 : memref<4x2048xf32, #tpu.memory_space<hbm>>)
      } else {
      }
      %parallel_loop3A_221 = arith.constant 0 : i32
      %parallel_loop3A_222 = arith.constant 8192 : i32
      %parallel_loop3A_223 = arith.constant 16 : i32
      scf.for %parallel_loop3A_240 = %parallel_loop3A_221 to %parallel_loop3A_222 step %parallel_loop3A_223  : i32 {
        %parallel_loop3A_241 = arith.constant 11 : i32
        %parallel_loop3A_242 = arith.shrsi %parallel_loop3A_240, %parallel_loop3A_241 : i32
        %parallel_loop3A_243 = arith.constant 2047 : i32
        %parallel_loop3A_244 = arith.andi %parallel_loop3A_240, %parallel_loop3A_243 : i32
        %parallel_loop3A_245 = arith.index_cast %parallel_loop3A_242 : i32 to index
        %parallel_loop3A_246 = arith.index_cast %parallel_loop3A_244 : i32 to index
        %parallel_loop3A_247 = tpu.vector_load %arg11[%parallel_loop3A_245, %parallel_loop3A_246] {strides = array<i32>} : memref<4x2048xf32, #tpu.memory_space<vmem>>, vector<16xf32>,
        %parallel_loop3A_248 = arith.constant 8.184000e+03 : f32
        %parallel_loop3A_249 = vector.broadcast %parallel_loop3A_248 : f32 to vector<16xf32>
        %parallel_loop3A_250 = arith.mulf %parallel_loop3A_247, %parallel_loop3A_249 : vector<16xf32>
        %parallel_loop3A_251 = arith.constant 0x4B002008 : f32
        %parallel_loop3A_252 = vector.broadcast %parallel_loop3A_251 : f32 to vector<16xf32>
        %parallel_loop3A_253 = arith.addf %parallel_loop3A_250, %parallel_loop3A_252 : vector<16xf32>
        %parallel_loop3A_254 = arith.constant 0x4B000000 : f32
        %parallel_loop3A_255 = vector.broadcast %parallel_loop3A_254 : f32 to vector<16xf32>
        %parallel_loop3A_256 = arith.maximumf %parallel_loop3A_253, %parallel_loop3A_255 : vector<16xf32>
        %parallel_loop3A_257 = arith.constant 0x4B004000 : f32
        %parallel_loop3A_258 = vector.broadcast %parallel_loop3A_257 : f32 to vector<16xf32>
        %parallel_loop3A_259 = arith.minimumf %parallel_loop3A_256, %parallel_loop3A_258 : vector<16xf32>
        %parallel_loop3A_260 = tpu.bitcast %parallel_loop3A_259 : vector<16xf32> -> vector<16xi32>
        %parallel_loop3A_261 = arith.constant 16777200 : i32
        %parallel_loop3A_262 = vector.broadcast %parallel_loop3A_261 : i32 to vector<16xi32>
        %parallel_loop3A_263 = arith.andi %parallel_loop3A_260, %parallel_loop3A_262 : vector<16xi32>
        %parallel_loop3A_264 = arith.ori %parallel_loop3A_263, %iota3A : vector<16xi32>
        %parallel_loop3A_265 = tpu.vector_load_idx %arg6[%parallel_loop3A_264] : memref<16400xf32, #tpu.memory_space<vmem>>[vector<16xi32>], vector<16xf32>,
        %parallel_loop3A_266 = tpu.vector_load_idx %arg7[%parallel_loop3A_264] : memref<16400xf32, #tpu.memory_space<vmem>>[vector<16xi32>], vector<16xf32>,
        %parallel_loop3A_267 = arith.mulf %parallel_loop3A_266, %parallel_loop3A_247 : vector<16xf32>
        %parallel_loop3A_268 = arith.addf %parallel_loop3A_265, %parallel_loop3A_267 : vector<16xf32>
        %parallel_loop3A_269 = arith.index_cast %parallel_loop3A_242 : i32 to index
        %parallel_loop3A_270 = arith.index_cast %parallel_loop3A_244 : i32 to index
        %parallel_loop3A_271 = tpu.vector_load %arg15[%parallel_loop3A_269, %parallel_loop3A_270] {strides = array<i32>} : memref<4x2048xf32, #tpu.memory_space<vmem>>, vector<16xf32>,
        tpu.vector_store %arg15[%parallel_loop3A_269, %parallel_loop3A_270], %parallel_loop3A_268 {strides = array<i32>} : memref<4x2048xf32, #tpu.memory_space<vmem>>, vector<16xf32>,
      } {sc.loop_unroll_factor = 8 : i64, sc.parallel_access}
      %mul3A_224 = arith.constant 4 : i32
      %mul3A_225 = arith.muli %add3A_206, %mul3A_224 : i32
      %add3A_226 = arith.addi %mul3A_32, %mul3A_225 : i32
      %dma_start3A_227 = arith.constant 0 : i32
      %dma_start3A_228 = tpu.memref_slice %arg5[%select_n3A, %add3A_226, %dma_start3A_227] : memref<2x4096x2048xf32, #tpu.memory_space<hbm>> -> memref<1x4x2048xf32, #tpu.memory_space<hbm>>
      %dma_start3A_229 = tpu.memref_squeeze %dma_start3A_228 : memref<1x4x2048xf32, #tpu.memory_space<hbm>> -> memref<4x2048xf32, #tpu.memory_space<hbm>>
      %dma_start3A_230 = arith.constant 0 : i32
      %dma_start3A_231 = tpu.memref_slice %arg5[%select_n3A, %add3A_226, %dma_start3A_230] : memref<2x4096x2048xf32, #tpu.memory_space<hbm>> -> memref<1x4x2048xf32, #tpu.memory_space<hbm>>
      %dma_start3A_232 = tpu.memref_squeeze %dma_start3A_231 : memref<1x4x2048xf32, #tpu.memory_space<hbm>> -> memref<4x2048xf32, #tpu.memory_space<hbm>>
      tpu.enqueue_dma source(%arg15 : memref<4x2048xf32, #tpu.memory_space<vmem>>) target(%dma_start3A_232 : memref<4x2048xf32, #tpu.memory_space<hbm>>) target_semaphore(%arg23 : memref<!tpu.dma_semaphore, #tpu.memory_space<semaphore_mem>>)
      %add3A_233 = arith.constant 4 : i32
      %add3A_234 = arith.addi %add3A_206, %add3A_233 : i32
      %lt3A_235 = arith.constant 64 : i32
      %lt3A_236 = arith.cmpi slt, %add3A_234, %lt3A_235 : i32
      %convert_element_type3A_237 = arith.extui %lt3A_236 : i1 to i32
      %cond3A_238 = arith.constant 0 : i32
      %cond3A_239 = arith.cmpi ne, %convert_element_type3A_237, %cond3A_238 : i32
      scf.if %cond3A_239 {
        %add3A_240 = arith.constant 4 : i32
        %add3A_241 = arith.addi %add3A_206, %add3A_240 : i32
        %mul3A_242 = arith.constant 4 : i32
        %mul3A_243 = arith.muli %add3A_241, %mul3A_242 : i32
        %add3A_244 = arith.addi %mul3A_32, %mul3A_243 : i32
        %dma_start3A_245 = arith.constant 0 : i32
        %dma_start3A_246 = tpu.memref_slice %arg2[%select_n3A, %add3A_244, %dma_start3A_245] : memref<2x4096x2048xf32, #tpu.memory_space<hbm>> -> memref<1x4x2048xf32, #tpu.memory_space<hbm>>
        %dma_start3A_247 = tpu.memref_squeeze %dma_start3A_246 : memref<1x4x2048xf32, #tpu.memory_space<hbm>> -> memref<4x2048xf32, #tpu.memory_space<hbm>>
        %dma_start3A_248 = arith.constant 0 : i32
        %dma_start3A_249 = tpu.memref_slice %arg2[%select_n3A, %add3A_244, %dma_start3A_248] : memref<2x4096x2048xf32, #tpu.memory_space<hbm>> -> memref<1x4x2048xf32, #tpu.memory_space<hbm>>
        %dma_start3A_250 = tpu.memref_squeeze %dma_start3A_249 : memref<1x4x2048xf32, #tpu.memory_space<hbm>> -> memref<4x2048xf32, #tpu.memory_space<hbm>>
        tpu.enqueue_dma source(%dma_start3A_250 : memref<4x2048xf32, #tpu.memory_space<hbm>>) target(%arg11 : memref<4x2048xf32, #tpu.memory_space<vmem>>) target_semaphore(%arg19 : memref<!tpu.dma_semaphore, #tpu.memory_space<semaphore_mem>>)
      } else {
      }
    }
    %scan3A_67 = arith.constant 16 : i32
    %add3A_68 = arith.constant 240 : i32
    %add3A_69 = arith.addi %mul3A_32, %add3A_68 : i32
    %dma_wait3A = arith.constant 0 : i32
    %dma_wait3A_70 = tpu.memref_slice %arg5[%select_n3A, %add3A_69, %dma_wait3A] : memref<2x4096x2048xf32, #tpu.memory_space<hbm>> -> memref<1x4x2048xf32, #tpu.memory_space<hbm>>
    %dma_wait3A_71 = tpu.memref_squeeze %dma_wait3A_70 : memref<1x4x2048xf32, #tpu.memory_space<hbm>> -> memref<4x2048xf32, #tpu.memory_space<hbm>>
    %dma_wait3A_72 = arith.constant 0 : i32
    %dma_wait3A_73 = tpu.memref_slice %arg5[%select_n3A, %add3A_69, %dma_wait3A_72] : memref<2x4096x2048xf32, #tpu.memory_space<hbm>> -> memref<1x4x2048xf32, #tpu.memory_space<hbm>>
    %dma_wait3A_74 = tpu.memref_squeeze %dma_wait3A_73 : memref<1x4x2048xf32, #tpu.memory_space<hbm>> -> memref<4x2048xf32, #tpu.memory_space<hbm>>
    tpu.wait_dma2 semaphore(%arg20 : memref<!tpu.dma_semaphore, #tpu.memory_space<semaphore_mem>>) src(%arg12 : memref<4x2048xf32, #tpu.memory_space<vmem>>) dst(%dma_wait3A_74 : memref<4x2048xf32, #tpu.memory_space<hbm>>)
    %add3A_75 = arith.constant 244 : i32
    %add3A_76 = arith.addi %mul3A_32, %add3A_75 : i32
    %dma_wait3A_77 = arith.constant 0 : i32
    %dma_wait3A_78 = tpu.memref_slice %arg5[%select_n3A, %add3A_76, %dma_wait3A_77] : memref<2x4096x2048xf32, #tpu.memory_space<hbm>> -> memref<1x4x2048xf32, #tpu.memory_space<hbm>>
    %dma_wait3A_79 = tpu.memref_squeeze %dma_wait3A_78 : memref<1x4x2048xf32, #tpu.memory_space<hbm>> -> memref<4x2048xf32, #tpu.memory_space<hbm>>
    %dma_wait3A_80 = arith.constant 0 : i32
    %dma_wait3A_81 = tpu.memref_slice %arg5[%select_n3A, %add3A_76, %dma_wait3A_80] : memref<2x4096x2048xf32, #tpu.memory_space<hbm>> -> memref<1x4x2048xf32, #tpu.memory_space<hbm>>
    %dma_wait3A_82 = tpu.memref_squeeze %dma_wait3A_81 : memref<1x4x2048xf32, #tpu.memory_space<hbm>> -> memref<4x2048xf32, #tpu.memory_space<hbm>>
    tpu.wait_dma2 semaphore(%arg21 : memref<!tpu.dma_semaphore, #tpu.memory_space<semaphore_mem>>) src(%arg13 : memref<4x2048xf32, #tpu.memory_space<vmem>>) dst(%dma_wait3A_82 : memref<4x2048xf32, #tpu.memory_space<hbm>>)
    %add3A_83 = arith.constant 248 : i32
    %add3A_84 = arith.addi %mul3A_32, %add3A_83 : i32
    %dma_wait3A_85 = arith.constant 0 : i32
    %dma_wait3A_86 = tpu.memref_slice %arg5[%select_n3A, %add3A_84, %dma_wait3A_85] : memref<2x4096x2048xf32, #tpu.memory_space<hbm>> -> memref<1x4x2048xf32, #tpu.memory_space<hbm>>
    %dma_wait3A_87 = tpu.memref_squeeze %dma_wait3A_86 : memref<1x4x2048xf32, #tpu.memory_space<hbm>> -> memref<4x2048xf32, #tpu.memory_space<hbm>>
    %dma_wait3A_88 = arith.constant 0 : i32
    %dma_wait3A_89 = tpu.memref_slice %arg5[%select_n3A, %add3A_84, %dma_wait3A_88] : memref<2x4096x2048xf32, #tpu.memory_space<hbm>> -> memref<1x4x2048xf32, #tpu.memory_space<hbm>>
    %dma_wait3A_90 = tpu.memref_squeeze %dma_wait3A_89 : memref<1x4x2048xf32, #tpu.memory_space<hbm>> -> memref<4x2048xf32, #tpu.memory_space<hbm>>
    tpu.wait_dma2 semaphore(%arg22 : memref<!tpu.dma_semaphore, #tpu.memory_space<semaphore_mem>>) src(%arg14 : memref<4x2048xf32, #tpu.memory_space<vmem>>) dst(%dma_wait3A_90 : memref<4x2048xf32, #tpu.memory_space<hbm>>)
    %add3A_91 = arith.constant 252 : i32
    %add3A_92 = arith.addi %mul3A_32, %add3A_91 : i32
    %dma_wait3A_93 = arith.constant 0 : i32
    %dma_wait3A_94 = tpu.memref_slice %arg5[%select_n3A, %add3A_92, %dma_wait3A_93] : memref<2x4096x2048xf32, #tpu.memory_space<hbm>> -> memref<1x4x2048xf32, #tpu.memory_space<hbm>>
    %dma_wait3A_95 = tpu.memref_squeeze %dma_wait3A_94 : memref<1x4x2048xf32, #tpu.memory_space<hbm>> -> memref<4x2048xf32, #tpu.memory_space<hbm>>
    %dma_wait3A_96 = arith.constant 0 : i32
    %dma_wait3A_97 = tpu.memref_slice %arg5[%select_n3A, %add3A_92, %dma_wait3A_96] : memref<2x4096x2048xf32, #tpu.memory_space<hbm>> -> memref<1x4x2048xf32, #tpu.memory_space<hbm>>
    %dma_wait3A_98 = tpu.memref_squeeze %dma_wait3A_97 : memref<1x4x2048xf32, #tpu.memory_space<hbm>> -> memref<4x2048xf32, #tpu.memory_space<hbm>>
    tpu.wait_dma2 semaphore(%arg23 : memref<!tpu.dma_semaphore, #tpu.memory_space<semaphore_mem>>) src(%arg15 : memref<4x2048xf32, #tpu.memory_space<vmem>>) dst(%dma_wait3A_98 : memref<4x2048xf32, #tpu.memory_space<hbm>>)
    return
  }
}

module attributes {stable_mosaic.version = 14 : i64} {
  func.func @_prep_body(%arg0: memref<1025x1xf32, #tpu.memory_space<vmem>>, %arg1: memref<1025x16xf32, #tpu.memory_space<vmem>>, %arg2: memref<1025x16xf32, #tpu.memory_space<vmem>>) attributes {dimension_semantics = [], scalar_prefetch = 0 : i64, scratch_operands = 0 : i64, tpu.core_type = #tpu.core_type<tc>} {
    %get3A = arith.constant 0 : index
    %get3A_0 = arith.constant 0 : index
    %get3A_1 = vector.load %arg0[%get3A, %get3A_0] : memref<1025x1xf32, #tpu.memory_space<vmem>>, vector<1025x1xf32>
    %max3A = arith.constant 0.000000e+00 : f32
    %max3A_2 = vector.broadcast %max3A : f32 to vector<1025x1xf32>
    %max3A_3 = arith.maximumf %get3A_1, %max3A_2 : vector<1025x1xf32>
    %abs3A = math.absf %get3A_1 : vector<1025x1xf32>
    %neg3A = arith.constant 0.000000e+00 : f32
    %neg3A_4 = vector.broadcast %neg3A : f32 to vector<1025x1xf32>
    %neg3A_5 = arith.subf %neg3A_4, %abs3A : vector<1025x1xf32>
    %exp3A = math.exp %neg3A_5 : vector<1025x1xf32>
    %log1p3A = math.log1p %exp3A : vector<1025x1xf32>
    %add3A = arith.addf %max3A_3, %log1p3A : vector<1025x1xf32>
    %iota3A = tpu.iota {dimensions = array<i32: 0>} : vector<1025x1xi32>
    %ge3A = arith.constant 1 : i32
    %ge3A_6 = vector.broadcast %ge3A : i32 to vector<1025x1xi32>
    %ge3A_7 = arith.cmpi sge, %iota3A, %ge3A_6 : vector<1025x1xi32>
    %le3A = arith.constant 1023 : i32
    %le3A_8 = vector.broadcast %le3A : i32 to vector<1025x1xi32>
    %le3A_9 = arith.cmpi sle, %iota3A, %le3A_8 : vector<1025x1xi32>
    %and3A = arith.andi %ge3A_7, %le3A_9 : vector<1025x1xi1>
    %jit3A = arith.constant 0.000000e+00 : f32
    %broadcast_in_dim3A = vector.broadcast %jit3A : f32 to vector<1025x1xf32>
    %select_n3A = arith.select %and3A, %add3A, %broadcast_in_dim3A : vector<1025x1xi1>, vector<1025x1xf32>
    %reduce_sum3A = vector.shape_cast %select_n3A : vector<1025x1xf32> to vector<1x1025x1xf32>
    %reduce_sum3A_10 = arith.constant dense<0.000000e+00> : vector<1xf32>
    %reduce_sum3A_11 = vector.multi_reduction <add>, %reduce_sum3A, %reduce_sum3A_10 [1, 2] : vector<1x1025x1xf32> to vector<1xf32>
    %reduce_sum3A_12 = vector.shape_cast %reduce_sum3A_11 : vector<1xf32> to vector<1x1x1xf32>
    %reduce_sum3A_13 = vector.extract %reduce_sum3A_12[0, 0, 0] : f32 from vector<1x1x1xf32>
    %mul3A = arith.constant 0.00195503421 : f32
    %mul3A_14 = arith.mulf %mul3A, %reduce_sum3A_13 : f32
    %div3A = arith.constant 2.000000e+00 : f32
    %div3A_15 = arith.divf %div3A, %mul3A_14 : f32
    %mul3A_16 = vector.broadcast %div3A_15 : f32 to vector<1025x1xf32>
    %mul3A_17 = arith.mulf %add3A, %mul3A_16 : vector<1025x1xf32>
    %slice3A = vector.extract_strided_slice %mul3A_17 {offsets = [0, 0], sizes = [1024, 1], strides = [1, 1]} : vector<1025x1xf32> to vector<1024x1xf32>
    %iota3A_18 = tpu.iota {dimensions = array<i32: 1>} : vector<1024x1024xi32>
    %iota3A_19 = tpu.iota {dimensions = array<i32: 0>} : vector<1024x1024xi32>
    %ge3A_20 = arith.constant 1 : i32
    %ge3A_21 = vector.broadcast %ge3A_20 : i32 to vector<1024x1024xi32>
    %ge3A_22 = arith.cmpi sge, %iota3A_18, %ge3A_21 : vector<1024x1024xi32>
    %le3A_23 = arith.cmpi sle, %iota3A_18, %iota3A_19 : vector<1024x1024xi32>
    %and3A_24 = arith.andi %ge3A_22, %le3A_23 : vector<1024x1024xi1>
    %jit3A_25 = arith.constant 1.000000e+00 : f32
    %jit3A_26 = arith.constant 0.000000e+00 : f32
    %broadcast_in_dim3A_27 = vector.broadcast %jit3A_25 : f32 to vector<1024x1024xf32>
    %broadcast_in_dim3A_28 = vector.broadcast %jit3A_26 : f32 to vector<1024x1024xf32>
    %select_n3A_29 = arith.select %and3A_24, %broadcast_in_dim3A_27, %broadcast_in_dim3A_28 : vector<1024x1024xi1>, vector<1024x1024xf32>
    %dot_general3A = arith.constant dense<0.000000e+00> : vector<1024x1xf32>
    %dot_general3A_30 = tpu.matmul %select_n3A_29, %slice3A, %dot_general3A {dimension_numbers = #tpu.dot_dimension_numbers<[1], [0], [0], [1], [0, 0, 1, 1], [], []>, transpose_lhs_hint = false} : vector<1024x1024xf32>, vector<1024x1xf32>, vector<1024x1xf32> -> vector<1024x1xf32>
    %mul3A_31 = arith.constant 0.00195503421 : f32
    %mul3A_32 = vector.broadcast %mul3A_31 : f32 to vector<1024x1xf32>
    %mul3A_33 = arith.mulf %mul3A_32, %dot_general3A_30 : vector<1024x1xf32>
    %add3A_34 = arith.constant -1.000000e+00 : f32
    %add3A_35 = vector.broadcast %add3A_34 : f32 to vector<1024x1xf32>
    %add3A_36 = arith.addf %add3A_35, %mul3A_33 : vector<1024x1xf32>
    %slice3A_37 = vector.extract_strided_slice %add3A_36 {offsets = [0, 0], sizes = [1, 1], strides = [1, 1]} : vector<1024x1xf32> to vector<1x1xf32>
    %concatenate3A = tpu.concatenate %slice3A_37, %add3A_36 in 0 : vector<1x1xf32>, vector<1024x1xf32> -> vector<1025x1xf32>
    %sub3A = arith.constant 1 : i32
    %sub3A_38 = vector.broadcast %sub3A : i32 to vector<1025x1xi32>
    %sub3A_39 = arith.subi %iota3A, %sub3A_38 : vector<1025x1xi32>
    %jit3A_40 = arith.constant 0 : i32
    %jit3A_41 = arith.constant 1023 : i32
    %max3A_42 = vector.broadcast %jit3A_40 : i32 to vector<1025x1xi32>
    %max3A_43 = arith.maxsi %max3A_42, %sub3A_39 : vector<1025x1xi32>
    %min3A = vector.broadcast %jit3A_41 : i32 to vector<1025x1xi32>
    %min3A_44 = arith.minsi %min3A, %max3A_43 : vector<1025x1xi32>
    %convert_element_type3A = arith.sitofp %min3A_44 : vector<1025x1xi32> to vector<1025x1xf32>
    %mul3A_45 = arith.constant 0.00195503421 : f32
    %mul3A_46 = vector.broadcast %mul3A_45 : f32 to vector<1025x1xf32>
    %mul3A_47 = arith.mulf %mul3A_46, %convert_element_type3A : vector<1025x1xf32>
    %add3A_48 = arith.constant -1.000000e+00 : f32
    %add3A_49 = vector.broadcast %add3A_48 : f32 to vector<1025x1xf32>
    %add3A_50 = arith.addf %add3A_49, %mul3A_47 : vector<1025x1xf32>
    %mul3A_51 = arith.mulf %mul3A_17, %add3A_50 : vector<1025x1xf32>
    %sub3A_52 = arith.subf %concatenate3A, %mul3A_51 : vector<1025x1xf32>
    %broadcast_in_dim3A_53 = vector.shape_cast %sub3A_52 : vector<1025x1xf32> to vector<1025x1xf32>
    %broadcast_in_dim3A_54 = vector.broadcast %broadcast_in_dim3A_53 : vector<1025x1xf32> to vector<1025x16xf32>
    %swap3A = arith.constant 0 : index
    %swap3A_55 = arith.constant 0 : index
    %swap3A_56 = vector.load %arg1[%swap3A, %swap3A_55] : memref<1025x16xf32, #tpu.memory_space<vmem>>, vector<1025x16xf32>
    tpu.vector_store %arg1[%swap3A, %swap3A_55], %broadcast_in_dim3A_54 {strides = array<i32>} : memref<1025x16xf32, #tpu.memory_space<vmem>>, vector<1025x16xf32>,
    %broadcast_in_dim3A_57 = vector.shape_cast %mul3A_17 : vector<1025x1xf32> to vector<1025x1xf32>
    %broadcast_in_dim3A_58 = vector.broadcast %broadcast_in_dim3A_57 : vector<1025x1xf32> to vector<1025x16xf32>
    %swap3A_59 = arith.constant 0 : index
    %swap3A_60 = arith.constant 0 : index
    %swap3A_61 = vector.load %arg2[%swap3A_59, %swap3A_60] : memref<1025x16xf32, #tpu.memory_space<vmem>>, vector<1025x16xf32>
    tpu.vector_store %arg2[%swap3A_59, %swap3A_60], %broadcast_in_dim3A_58 {strides = array<i32>} : memref<1025x16xf32, #tpu.memory_space<vmem>>, vector<1025x16xf32>,
    return
  }
}

</mosaic_0001>

<sc_bundles>
// kernel: kernel.4.cloned.1.call-start
scs
__scs_entry_jumppad:
0x0: {  	(pc) =	sbr.rel $0x88, $3  }
0x1: {  	(tag) =	ssettag $0x0;
	lr =	simm.s32 $0x1  }
0x2: {  	[smem:$0x3F9F] =	sst lr;
	_ =	strace $0xD0000000  }
0x3: {  	_ = 	snop  }
0x4: {  	_ = 	snop  }
0x5: {  	_ = 	snop  }
0x6: {  	_ = 	snop  }
0x7: {  	_ = 	snop  }
__scs_overlays_trampoline_lowered:
0x8: {  	[smem:$0x3FAE] =	sst s0  }
0x9: {  	[smem:$0x3FAF] =	sst s1  }
0xa: {  	[smem:$0x3FB0] =	sst s2  }
0xb: {  	[smem:$0x3FB1] =	sst s3  }
0xc: {  	[smem:$0x3FB2] =	sst s4  }
0xd: {  	[smem:$0x3FB3] =	sst s5  }
0xe: {  	[smem:$0x3FB4] =	sst s6  }
0xf: {  	[smem:$0x3FB5] =	sst s7  }
0x10: {  	[smem:$0x3FB6] =	sst s8  }
0x11: {  	[smem:$0x3FB7] =	sst s9;
	s0 =	simm.s32 @!p0 $0x0  }
0x12: {  	s1 =	sld [smem:$0x3F9D];
	s0 =	simm.s32 @p0 $0x1  }
0x13: {  	[smem:$0x3FB8] =	sst s0;
	s0 =	simm.s32 @!p1 $0x0  }
0x14: {  	s2 =	sld [smem:$0x3F9C];
	s0 =	simm.s32 @p1 $0x1  }
0x15: {  	[smem:$0x3FB9] =	sst s0;
	s0 =	simm.s32 @!p2 $0x0  }
0x16: {  	s3 =	sld [smem:$0x3FDB];
	s0 =	simm.s32 @p2 $0x1  }
0x17: {  	s4 =	simm.s32 $0x1BF5;
	[smem:$0x3FBB] =	sst s0  }
0x18: {  	s0 =	sld [smem:$0x3F9E];
	_ =	swait.ge [sflag:s4], $0x0  }
0x19: {  	s7 =	sld [smem:$0x3F9F]  }
0x1a: {  	s8 =	sadd.s32 $0xFFFFE003, lr  }
0x1b: {  	s9 =	sadd.s32 $0xFFFFFEF7, lr;
	s5 =	simm.s32 $0xFFFFFFFF;
	p2 =	slt.u32 s8, $0xFFFFF086  }
0x1c: {  	p1 =	slt.u32 s9, $0xF7A;
	s5 =	simm.s32 @!p2 $0x0  }
0x1d: {  	s5 =	simm.s32 @p1 $0x1;
	p0 =	seq.s32 s7, s2  }
0x1e: {  	s7 =	smul.u32 @!p0 $0xF7A, s2;
	p2 =	seq.s32 @!p0 s5, $0x0  }
0x1f: {  	s9 =	smul.u32 $0xF7A, s1;
	s8 =	simm.s32 @!p0 $0x1BF5;
	p2 =	por !p2, p0  }
0x20: {  	[sflag:s8] =	ssyncset.s32 @!p0 $0xFFFFF086;
	s6 =	sadd.s32 @!p0 s3, s7;
	s7 =	simm.s32 @!p0 $0x108  }
0x21: {  	s3 =	sadd.s32 s3, s9;
	s6 =	sadd.s32 @!p0 $0x88, s6;
	s7 =	simm.s32 @p2 $0x1082  }
0x22: {  	[simem:s7], [sflag:s8] =	dma.local @!p0 [hbm:s6], $0xF7A  }
0x23: {  	s9 =	sor.u32 $0xD0000000, s2;
	s6 =	simm.s32 $0x108;
	_ =	swait.ge @!p0 [sflag:s8], $0x0  }
0x24: {  	s3 =	sadd.s32 $0x88, s3;
	s6 =	simm.s32 @!p1 $0x1082;
	[sflag:s4] =	ssyncset.s32 $0xFFFFF086  }
0x25: {  	[simem:s6], [sflag:s4] =	dma.local [hbm:s3], $0xF7A  }
0x26: {  	[smem:$0x3F9F] =	sst s1;
	(tag) =	ssettag s2;
	_ =	strace s9  }
0x27: {  	s1 =	sld [smem:$0x3FAF]  }
0x28: {  	s2 =	sld [smem:$0x3FB0]  }
0x29: {  	s4 =	sld [smem:$0x3FB2]  }
0x2a: {  	p0 =	seq.s32 s5, $0x0;
	s5 =	sld [smem:$0x3FB3]  }
0x2b: {  	s6 =	sld [smem:$0x3FB4]  }
0x2c: {  	s7 =	sld [smem:$0x3FB5]  }
0x2d: {  	s3 =	simm.s32 $0x108;
	s8 =	sld [smem:$0x3FB6]  }
0x2e: {  	s3 =	simm.s32 @!p0 $0x1082;
	s9 =	sld [smem:$0x3FB7]  }
0x2f: {  	lr =	sadd.s32 s0, s3;
	s0 =	sld [smem:$0x3FAE]  }
0x30: {  	s3 =	sld [smem:$0x3FB1]  }
0x31: {  	[smem:$0x3FBA] =	sst s10  }
0x32: {  	s10 =	sld [smem:$0x3FB8];
	_ =	sdelay $0x3  }
0x33: {  	p0 =	seq.s32 s10, $0x1;
	s10 =	sld [smem:$0x3FBA];
	_ =	sdelay $0x3  }
0x34: {  	[smem:$0x3FBA] =	sst s10  }
0x35: {  	s10 =	sld [smem:$0x3FB9];
	_ =	sdelay $0x3  }
0x36: {  	p1 =	seq.s32 s10, $0x1;
	s10 =	sld [smem:$0x3FBA];
	_ =	sdelay $0x3  }
0x37: {  	[smem:$0x3FBA] =	sst s10  }
0x38: {  	s10 =	sld [smem:$0x3FBB]  }
0x39: {  	_ = 	snop;
	(pc) =	sbr.ind lr, $3  }
0x3a: {  	_ = 	snop  }
0x3b: {  	_ = 	snop  }
0x3c: {  	p2 =	seq.s32 s10, $0x1;
	s10 =	sld [smem:$0x3FBA]  }
0x3d: {  	_ =	shalt  }
0x3e: {  	_ =	shalt  }
0x3f: {  	_ =	shalt  }
0x40: {  	_ =	shalt  }
0x41: {  	_ =	shalt  }
0x42: {  	_ =	shalt  }
0x43: {  	_ =	shalt  }
0x44: {  	_ =	shalt  }
0x45: {  	_ =	shalt  }
0x46: {  	_ =	shalt  }
0x47: {  	_ =	shalt  }
0x48: {  	_ =	shalt  }
0x49: {  	_ =	shalt  }
0x4a: {  	_ =	shalt  }
0x4b: {  	_ =	shalt  }
0x4c: {  	_ =	shalt  }
0x4d: {  	_ =	shalt  }
0x4e: {  	_ =	shalt  }
0x4f: {  	_ =	shalt  }
0x50: {  	_ =	shalt  }
0x51: {  	_ =	shalt  }
0x52: {  	_ =	shalt  }
0x53: {  	_ =	shalt  }
0x54: {  	_ =	shalt  }
0x55: {  	_ =	shalt  }
0x56: {  	_ =	shalt  }
0x57: {  	_ =	shalt  }
0x58: {  	_ =	shalt  }
0x59: {  	_ =	shalt  }
0x5a: {  	_ =	shalt  }
0x5b: {  	_ =	shalt  }
0x5c: {  	_ =	shalt  }
0x5d: {  	_ =	shalt  }
0x5e: {  	_ =	shalt  }
0x5f: {  	_ =	shalt  }
0x60: {  	_ =	shalt  }
0x61: {  	_ =	shalt  }
0x62: {  	_ =	shalt  }
0x63: {  	_ =	shalt  }
0x64: {  	_ =	shalt  }
0x65: {  	_ =	shalt  }
0x66: {  	_ =	shalt  }
0x67: {  	_ =	shalt  }
0x68: {  	_ =	shalt  }
0x69: {  	_ =	shalt  }
0x6a: {  	_ =	shalt  }
0x6b: {  	_ =	shalt  }
0x6c: {  	_ =	shalt  }
0x6d: {  	_ =	shalt  }
0x6e: {  	_ =	shalt  }
0x6f: {  	_ =	shalt  }
0x70: {  	_ =	shalt  }
0x71: {  	_ =	shalt  }
0x72: {  	_ =	shalt  }
0x73: {  	_ =	shalt  }
0x74: {  	_ =	shalt  }
0x75: {  	_ =	shalt  }
0x76: {  	_ =	shalt  }
0x77: {  	_ =	shalt  }
0x78: {  	_ =	shalt  }
0x79: {  	_ =	shalt  }
0x7a: {  	_ =	shalt  }
0x7b: {  	_ =	shalt  }
0x7c: {  	_ =	shalt  }
0x7d: {  	_ =	shalt  }
0x7e: {  	_ =	shalt  }
0x7f: {  	_ =	shalt  }
0x80: {  	_ =	shalt  }
0x81: {  	_ =	shalt  }
0x82: {  	_ =	shalt  }
0x83: {  	_ =	shalt  }
0x84: {  	_ =	shalt  }
0x85: {  	_ =	shalt  }
0x86: {  	_ =	shalt  }
0x87: {  	_ =	shalt  }
.Lfunc_end0:
.L_simem_size_0:
called_computation_lowered:
.L_overlay_start_0:
0x88: {  	s2 =	sld [smem:$0x3FD9]  }
0x89: {  	s3 =	sld [smem:$0x3FFE];
	_ =	sdelay $0x1  }
0x8a: {  	s1 =	srdreg.scid  }
0x8b: {  	s0 =	sand.u32 $0x1, s1  }
0x8c: {  	s17 =	sshll.u32 s0, $0xA;
	s2 =	sadd.s32 s3, s2  }
0x8d: {  	s2 =	sadd.s32 s2, s17  }
0x8e: {  	[smem:$0x3FC6] =	sst s2  }
0x8f: {  	_ = 	snop  }
0x90: {  	s2 =	sld [smem:$0x3FC9]  }
0x91: {  	s18 =	sld [smem:$0x3FD0];
	(tm) =	ssettm $0x1  }
0x92: {  	s4 =	sld [smem:$0x3FFB];
	_ =	sdelay $0x3  }
0x93: {  	_ =	strace s4  }
0x94: {  	s4 =	sld [smem:$0x3FFC];
	_ =	sdelay $0x3  }
0x95: {  	_ =	strace s4  }
0x96: {  	s4 =	sld [smem:$0x3FFD];
	_ =	sdelay $0x3  }
0x97: {  	_ =	strace s4  }
0x98: {  	_ =	strace $0x8FFFFFFF  }
0x99: {  	s19 =	sld [smem:$0x3FDB];
	_ =	sdelay $0x1  }
0x9a: {  	s5 =	simm.s32 $_scs_section_size  }
0x9b: {  	s6 =	simm.s32 $_size__tile_overlayer_lowered;
	s7 =	simm.s32 $_tile_overlayer_lowered  }
0x9c: {  	s22 =	simm.s32 $0x1BFF;
	s21 =	sshll.u32 s7, $0x1;
	s4 =	sadd.s32 s5, s19  }
0x9d: {  	s8 =	simm.s32 $0x0;
	s20 =	sshll.u32 s6, $0x1;
	s6 =	sadd.s32 s21, s4  }
0x9e: {  	[timem:s8], [sflag:s22] =	dma.local [hbm:s6], s20  }
0x9f: {  	_ =	swait.ge [sflag:s22], s20  }
0xa0: {  	s5 =	ssub.s32 $0x0, s20;
	[sflag:s22] =	ssyncset.done $0x0  }
0xa1: {  	[sflag:s22] =	ssyncadd.s32 s5;
	_ =	sdelay $0x1  }
0xa2: {  	s23 =	simm.s32 $0x1B8B  }
0xa3: {  	_ =	swait.ge [sflag:s23], $0x1  }
0xa4: {  	[sflag:s23] =	ssyncset.done $0x0  }
0xa5: {  	s25 =	simm.s32 $0x1B8E;
	s24 =	sld [smem:$0x3FFE];
	[sflag:s23] =	ssyncadd.s32 $0xFFFFFFFF  }
0xa6: {  	s26 =	simm.s32 $execute0_lowered;
	[smem:$0x3FD2] =	sst s25  }
0xa7: {  	s6 =	sshll.u32 s26, $0x1;
	_ =	strace $0x80000046;
	[dreg:$0x1] =	wrdreg $0xFFFFFFFF  }
0xa8: {  	s28 =	simm.s32 $_size_execute0_lowered;
	s4 =	sadd.s32 s4, s6;
	[dreg:$0x0] =	wrdreg $0x0  }
0xa9: {  	s6 =	sshll.u32 s28, $0x1;
	[dreg:$0x2] =	wrdreg s4  }
0xaa: {  	[dreg:$0x3] =	wrdreg s6  }
0xab: {  	[dreg:$0x4] =	wrdreg $0xC0  }
0xac: {  	_ =	task [dreg:s8], $0x5FFFF  }
0xad: {  	[dreg:$0x1] =	wrdreg $0xFFFFFFFF  }
0xae: {  	[dreg:$0x0] =	wrdreg $0x60  }
0xaf: {  	[dreg:$0x2] =	wrdreg s2  }
0xb0: {  	[dreg:$0x3] =	wrdreg s24  }
0xb1: {  	[dreg:$0x4] =	wrdreg s18  }
0xb2: {  	[dreg:$0x5] =	wrdreg $0x9  }
0xb3: {  	_ =	task.clear_ibuf [dreg:s8], $0x6FFFF;
	_ =	strace $0x90000046  }
0xb4: {  	s29 =	simm.s32 $0x9;
	_ =	strace $0x80000048  }
0xb5: {  	_ =	swait.ge [sflag:s29], $0x1  }
0xb6: {  	[sflag:s29] =	ssyncadd.s32 $0xFFFFFFFF  }
0xb7: {  	_ =	strace $0x90000048  }
0xb8: {  	_ =	sfence  }
0xb9: {  	s30 =	sld [smem:$0x0];
	_ =	sdelay $0x2  }
0xba: {  	s31 =	sshll.u32 s1, $0xD;
	s1 =	sshrl.u32 s1, $0x2  }
0xbb: {  	s3 =	sand.u32 $0x4000, s31;
	s1 =	sadd.s32 s1, s30  }
0xbc: {  	s0 =	sor.u32 s3, s0;
	s1 =	sshll.u32 s1, $0x11  }
0xbd: {  	s0 =	sor.u32 s1, s0  }
0xbe: {  	s0 =	sadd.s32 $0x8F2B, s0  }
0xbf: {  	[sflag:s0] =	ssyncadd.remote.s32 $0x1  }
0xc0: {  	_ =	sfence.sel $0xFFFF  }
0xc1: {  	[dreg:$0x0] =	wrdreg $0xFFFFFFFF;
	(pc) =	sbr.abs _section_cstart, $3  }
0xc2: {  	[dreg:$0x1] =	wrdreg $0xFFFFFFFF  }
0xc3: {  	_ =	task.clear_ibuf [dreg:s8], $0x2FFFF;
	_ =	strace $0x9FFFFFFF  }
0xc4: {  	(tm) =	ssettm $0x7FFFFFFF  }
0xc5: {  	_ =	shalt  }
tec
execute0_lowered:
.L_overlay_start_1:
0x0: {  	(tag) =	ssettag $0x1  }
0x1: {  	s6 =	rddreg [dreg:$0x0]  }
0x2: {  	s0 =	rddreg [dreg:$0x1]  }
0x3: {  	s3 =	rddreg [dreg:$0x2];
	s4 =	simm.s32 $0x0  }
0x4: {  	s5 =	stileid.u32;
	s1 =	srdreg.scid;
	s18 =	simm.s32 $0x4080  }
0x5: {  	s19 =	simm.s32 $0x200;
	s20 =	simm.s32 $0x400;
	s28 =	simm.s32 $0x2  }
0x6: {  	s29 =	simm.s32 $0x6;
	s30 =	simm.s32 $0x12100;
	s31 =	simm.s32 $0x3  }
0x7: {  	s9 =	simm.s32 $0x16100;
	s10 =	simm.s32 $0x0;
	[smem:$0x7FF] =	sst s4  }
0x8: {  	s2 =	sshll.u32 s5, $0x1;
	s1 =	sand.u32 $0x1, s1;
	s7 =	sadd.s32 $0x600, s0  }
0x9: {  	s5 =	sshll.u32 s5, $0x14;
	s0 =	sadd.s32 $0x1000, s0;
	s8 =	sadd.s32 $0x40, s6  }
0xa: {  	s14 =	sadd.s32 $0x40, s3;
	_ =	strace $0x80000047;
	s2 =	sand.u32 $0xE, s2  }
0xb: {  	[dreg:$0x4] =	wrdreg s7;
	s2 =	sor.u32 s1, s2;
	s1 =	ssub.s32 $0x2, s1  }
0xc: {  	s5 =	sand.u32 $0x800000, s5;
	s2 =	sshll.u32 s2, $0x13;
	s22 =	sshrl.u32 s1, $0x1  }
0xd: {  	[dreg:$0x5] =	wrdreg s0;
	s7 =	sor.u32 s5, s2;
	s0 =	ssub.s32 s1, s22  }
0xe: {  	s2 =	simm.s32 $0x14100;
	s5 =	simm.s32 $0x4;
	s23 =	sshrl.u32 s7, $0x3  }
0xf: {  	s13 =	sor.u32 $0x8000, s7;
	s15 =	sor.u32 $0xC000, s7;
	s0 =	smax.u32 s0, $0x1  }
.Ltmp0:
0x10: {  	s24 =	sadd.s32 s6, s23;
	[dreg:$0xa] =	wrdreg s0;
	(pc) =	sbr.rel .LBB2_1-.Ltmp0, $4  }
0x11: {  	s25 =	sadd.s32 s23, s8;
	s1 =	sor.u32 $0x800, s23;
	[dreg:$0x6] =	wrdreg s24  }
0x12: {  	s0 =	simm.s32 $0x7;
	[dreg:$0x7] =	wrdreg s25;
	s26 =	sadd.s32 s6, s1  }
0x13: {  	s1 =	sadd.s32 s1, s8;
	s25 =	simm.s32 $0x1;
	[dreg:$0x8] =	wrdreg s26  }
0x14: {  	v0 =	vlaneseq.u32;
	s6 =	simm.s32 $0x8;
	[dreg:$0x9] =	wrdreg s1;
	s26 =	simm.s32 $0x10100  }
.LBB2_24:
0x15: {  	s1 =	simm.s32 $0x5  }
0x16: {  	_ =	swait.ge [sflag:s1], $0x2000  }
0x17: {  	[sflag:s1] =	ssyncset.done $0x0  }
0x18: {  	[sflag:s1] =	ssyncadd.s32 $0xFFFFE000  }
0x19: {  	_ =	swait.ge [sflag:s29], $0x2000  }
0x1a: {  	[sflag:s29] =	ssyncset.done $0x0  }
0x1b: {  	[sflag:s29] =	ssyncadd.s32 $0xFFFFE000  }
0x1c: {  	_ =	swait.ge [sflag:s0], $0x2000  }
0x1d: {  	[sflag:s0] =	ssyncset.done $0x0  }
0x1e: {  	[sflag:s0] =	ssyncadd.s32 $0xFFFFE000  }
0x1f: {  	_ =	swait.ge [sflag:s6], $0x2000  }
0x20: {  	s10 =	rddreg [dreg:$0xb]  }
0x21: {  	s24 =	rddreg [dreg:$0xa];
	s10 =	sadd.s32 $0x1, s10  }
0x22: {  	p0 =	sne.s32 s10, s24  }
.Ltmp1:
0x23: {  	_ = 	snop;
	(pc) =	sbr.rel @!p0 .LBB2_25-.Ltmp1, $3  }
0x24: {  	_ =	sdelay $0x1  }
0x25: {  	[sflag:s6] =	ssyncset.done $0x0  }
0x26: {  	[sflag:s6] =	ssyncadd.s32 $0xFFFFE000  }
.LBB2_1:
0x27: {  	[dreg:$0xb] =	wrdreg s10  }
0x28: {  	s1 =	rddreg [dreg:$0x4];
	s23 =	simm.s32 $0x9  }
0x29: {  	[tilespmem:s4], [sflag:$0x9] =	stream.linear.gather [hbm4b:s1+s4], $0x4080, $0x38;
	[tilespmem:$0x18100] =	vst v63  }
0x2a: {  	_ =	swait.ge [sflag:s23], $0x4080  }
0x2b: {  	[sflag:s23] =	ssyncset.done $0x0  }
0x2c: {  	s24 =	rddreg [dreg:$0x5];
	[sflag:s23] =	ssyncadd.s32 $0xFFFFBF80  }
0x2d: {  	[tilespmem:s18], [sflag:$0x9] =	stream.linear.gather [hbm4b:s24+s4], $0x4080, $0x38;
	[tilespmem:$0x18100] =	vst v63  }
0x2e: {  	_ =	swait.ge [sflag:s23], $0x4080  }
0x2f: {  	[sflag:s23] =	ssyncset.done $0x0  }
0x30: {  	s12 =	simm.s32 $0x8100;
	s11 =	rddreg [dreg:$0x6];
	[sflag:s23] =	ssyncadd.s32 $0xFFFFBF80  }
0x31: {  	[tilespmem:s12], [sflag:$0x1] =	stream.strided.gather [hbm4b:s11+s19], $0x2000, s20, s19, $0x38;
	[tilespmem:$0x18100] =	vst v63  }
0x32: {  	s17 =	simm.s32 $0xA100;
	s16 =	rddreg [dreg:$0x7]  }
0x33: {  	[tilespmem:s17], [sflag:$0x2] =	stream.strided.gather [hbm4b:s16+s19], $0x2000, s20, s19, $0x38;
	[tilespmem:$0x18100] =	vst v63  }
0x34: {  	s22 =	simm.s32 $0xC100;
	s21 =	rddreg [dreg:$0x8]  }
0x35: {  	[tilespmem:s22], [sflag:$0x3] =	stream.strided.gather [hbm4b:s21+s19], $0x2000, s20, s19, $0x38;
	[tilespmem:$0x18100] =	vst v63  }
0x36: {  	s24 =	simm.s32 $0xE100;
	s23 =	rddreg [dreg:$0x9];
	s12 =	simm.s32 $0x0  }
0x37: {  	[tilespmem:s24], [sflag:$0x4] =	stream.strided.gather [hbm4b:s23+s19], $0x2000, s20, s19, $0x38;
	[tilespmem:$0x18100] =	vst v63  }
.LBB2_2:
0x38: {  	_ =	swait.ge [sflag:s25], $0x2000  }
0x39: {  	p0 =	seq.s32 s12, $0x0;
	[sflag:s25] =	ssyncset.done $0x0  }
0x3a: {  	s1 =	simm.s32 @!p0 $0x5;
	[sflag:s25] =	ssyncadd.s32 $0xFFFFE000  }
0x3b: {  	s10 =	simm.s32 $0x0;
	_ =	swait.ge @!p0 [sflag:s1], $0x2000  }
0x3c: {  	s11 =	sand.u32 $0x1E00, s10;
	s10 =	sand.u32 $0x180, s10;
	[sflag:s1] =	ssyncset.done @!p0 $0x0  }
0x3d: {  	s10 =	sor.u32 s10, s11;
	[sflag:s1] =	ssyncadd.s32 @!p0 $0xFFFFE000  }
0x3e: {  	v13 =	vld [tilespmem:s10+$0x8170]  }
0x3f: {  	v7 =	vld [tilespmem:s10+$0x8100]  }
0x40: {  	v6 =	vld [tilespmem:s10+$0x8110]  }
0x41: {  	v2 =	vld [tilespmem:s10+$0x8120]  }
0x42: {  	v1 =	vld [tilespmem:s10+$0x8130]  }
0x43: {  	v5 =	vld [tilespmem:s10+$0x8150]  }
0x44: {  	v4 =	vld [tilespmem:s10+$0x8140];
	_ =	sdelay $0x1  }
0x45: {  	v3 =	vmul.f32 $8.184000000e+03, v13;
	v8 =	vmul.f32 $8.184000000e+03, v7  }
0x46: {  	v10 =	vmul.f32 $8.184000000e+03, v6;
	v11 =	vmul.f32 $8.184000000e+03, v2  }
0x47: {  	v12 =	vmul.f32 $8.184000000e+03, v1;
	v15 =	vmul.f32 $8.184000000e+03, v5;
	v3 =	vadd.f32 $8.396808000e+06, v3  }
0x48: {  	s23 =	simm.s32 $0x8;
	s24 =	simm.s32 $0x200;
	v14 =	vmul.f32 $8.184000000e+03, v4;
	v8 =	vadd.f32 $8.396808000e+06, v8;
	v10 =	vadd.f32 $8.396808000e+06, v10  }
0x49: {  	s11 =	sand.u32 $0x1E00, s24;
	s1 =	sand.u32 $0x180, s23;
	v12 =	vadd.f32 $8.396808000e+06, v12;
	v15 =	vadd.f32 $8.396808000e+06, v15  }
0x4a: {  	s17 =	sor.u32 s1, s11;
	v11 =	vadd.f32 $8.396808000e+06, v11;
	v14 =	vadd.f32 $8.396808000e+06, v14;
	v9 =	vmax.f32 v3, $8.388608000e+06;
	v3 =	vld [tilespmem:s10+$0x8160]  }
0x4b: {  	v12 =	vmax.f32 v12, $8.388608000e+06;
	v18 =	vmax.f32 v15, $8.388608000e+06;
	v15 =	vld [tilespmem:s17+$0x8170];
	v9 =	vmin.f32 v9, $8.404992000e+06  }
0x4c: {  	v8 =	vmax.f32 v8, $8.388608000e+06;
	v12 =	vmin.f32 v12, $8.404992000e+06;
	v9 =	vand.u32 $0xFFFFF0, v9  }
0x4d: {  	v10 =	vmax.f32 v10, $8.388608000e+06;
	v12 =	vand.u32 $0xFFFFF0, v12;
	v9 =	vor.u32 v0, v9  }
0x4e: {  	v14 =	vmax.f32 v14, $8.388608000e+06;
	v10 =	vmin.f32 v10, $8.404992000e+06;
	v29 =	vor.u32 v0, v12;
	v12 =	vld [tilespmem:s17+$0x8140]  }
0x4f: {  	v14 =	vmin.f32 v14, $8.404992000e+06;
	v20 =	vand.u32 $0xFFFFF0, v10;
	v16 =	vmul.f32 $8.184000000e+03, v3  }
0x50: {  	v14 =	vand.u32 $0xFFFFF0, v14;
	v10 =	vld [tilespmem:s17+$0x8120];
	v22 =	vor.u32 v0, v20;
	v20 =	vmul.f32 $8.184000000e+03, v15  }
0x51: {  	v11 =	vmax.f32 v11, $8.388608000e+06;
	v34 =	vor.u32 v0, v14;
	v14 =	vld [tilespmem:s17+$0x8160];
	v16 =	vadd.f32 $8.396808000e+06, v16  }
0x52: {  	v8 =	vmin.f32 v8, $8.404992000e+06;
	v11 =	vmin.f32 v11, $8.404992000e+06;
	v26 =	vadd.f32 $8.396808000e+06, v20;
	v17 =	vld.idx.msk [tilespmem:v9+s18+$0x0], $0xffff  }
0x53: {  	v11 =	vand.u32 $0xFFFFF0, v11;
	v19 =	vld.idx.msk [tilespmem:v9+s4+$0x0], $0xffff;
	v31 =	vmul.f32 $8.184000000e+03, v12;
	v9 =	vmax.f32 v16, $8.388608000e+06  }
0x54: {  	v16 =	vmin.f32 v18, $8.404992000e+06;
	v18 =	vand.u32 $0xFFFFF0, v8;
	v8 =	vld [tilespmem:s17+$0x8100];
	v26 =	vmax.f32 v26, $8.388608000e+06  }
0x55: {  	v21 =	vmin.f32 v9, $8.404992000e+06;
	v9 =	vld [tilespmem:s17+$0x8110];
	v18 =	vor.u32 v0, v18;
	v26 =	vmin.f32 v26, $8.404992000e+06  }
0x56: {  	v23 =	vor.u32 v0, v11;
	v11 =	vld [tilespmem:s17+$0x8130];
	v35 =	vmul.f32 $8.184000000e+03, v14;
	v26 =	vand.u32 $0xFFFFF0, v26  }
0x57: {  	v31 =	vadd.f32 $8.396808000e+06, v31;
	v36 =	vor.u32 v0, v26;
	v26 =	vld.idx.msk [tilespmem:v34+s18+$0x0], $0xffff  }
0x58: {  	v16 =	vand.u32 $0xFFFFF0, v16;
	v35 =	vadd.f32 $8.396808000e+06, v35;
	v21 =	vand.u32 $0xFFFFF0, v21;
	v34 =	vld.idx.msk [tilespmem:v34+s4+$0x0], $0xffff  }
0x59: {  	v16 =	vor.u32 v0, v16;
	v39 =	vmax.f32 v31, $8.388608000e+06;
	v24 =	vmul.f32 v17, v13;
	v13 =	vld [tilespmem:s17+$0x8150]  }
0x5a: {  	v17 =	vor.u32 v0, v21;
	v25 =	vmul.f32 $8.184000000e+03, v8;
	v21 =	vmul.f32 $8.184000000e+03, v9;
	v20 =	vld.idx.msk [tilespmem:v18+s18+$0x0], $0xffff  }
0x5b: {  	v40 =	vmax.f32 v35, $8.388608000e+06;
	v19 =	vadd.f32 v24, v19;
	v24 =	vmul.f32 $8.184000000e+03, v10;
	v31 =	vld.idx.msk [tilespmem:v18+s4+$0x0], $0xffff  }
0x5c: {  	v27 =	vadd.f32 $8.396808000e+06, v25;
	v25 =	vmul.f32 $8.184000000e+03, v11;
	v28 =	vadd.f32 $8.396808000e+06, v21;
	v21 =	vld.idx.msk [tilespmem:v22+s18+$0x0], $0xffff  }
0x5d: {  	v39 =	vmin.f32 v39, $8.404992000e+06;
	v40 =	vmin.f32 v40, $8.404992000e+06;
	v30 =	vadd.f32 $8.396808000e+06, v24;
	v24 =	vld.idx.msk [tilespmem:v23+s18+$0x0], $0xffff  }
0x5e: {  	v35 =	vld.idx.msk [tilespmem:v36+s18+$0x0], $0xffff;
	v32 =	vadd.f32 $8.396808000e+06, v25;
	v33 =	vmul.f32 $8.184000000e+03, v13;
	v37 =	vmax.f32 v27, $8.388608000e+06  }
0x5f: {  	v36 =	vld.idx.msk [tilespmem:v36+s4+$0x0], $0xffff;
	v38 =	vmax.f32 v28, $8.388608000e+06;
	v30 =	vmax.f32 v30, $8.388608000e+06;
	v37 =	vmin.f32 v37, $8.404992000e+06  }
0x60: {  	v25 =	vld.idx.msk [tilespmem:v29+s18+$0x0], $0xffff;
	v33 =	vadd.f32 $8.396808000e+06, v33;
	v32 =	vmax.f32 v32, $8.388608000e+06;
	v18 =	vmin.f32 v38, $8.404992000e+06  }
0x61: {  	v27 =	vld.idx.msk [tilespmem:v16+s18+$0x0], $0xffff;
	v63 =	vmin.f32 v30, $8.404992000e+06;
	v41 =	vand.u32 $0xFFFFF0, v37;
	v37 =	vand.u32 $0xFFFFF0, v39  }
0x62: {  	v30 =	vld.idx.msk [tilespmem:v22+s4+$0x0], $0xffff;
	v39 =	vand.u32 $0xFFFFF0, v40;
	v22 =	vmin.f32 v32, $8.404992000e+06;
	v18 =	vand.u32 $0xFFFFF0, v18  }
0x63: {  	v28 =	vld.idx.msk [tilespmem:v17+s18+$0x0], $0xffff;
	v42 =	vand.u32 $0xFFFFF0, v63;
	v33 =	vmax.f32 v33, $8.388608000e+06;
	v43 =	vand.u32 $0xFFFFF0, v22  }
0x64: {  	s16 =	sshll.u32 s12, $0xF;
	s21 =	simm.s32 $0x80;
	v32 =	vld.idx.msk [tilespmem:v23+s4+$0x0], $0xffff;
	v22 =	vor.u32 v0, v41;
	v23 =	vor.u32 v0, v18;
	v33 =	vmin.f32 v33, $8.404992000e+06  }
0x65: {  	s22 =	simm.s32 $0x10;
	s23 =	simm.s32 $0x400;
	s11 =	sor.u32 s7, s16;
	[tilespmem:s10+$0x10170] =	vst v19;
	v19 =	vor.u32 v0, v42;
	v18 =	vor.u32 v0, v43;
	v38 =	vand.u32 $0xFFFFF0, v33;
	v33 =	vld.idx.msk [tilespmem:v29+s4+$0x0], $0xffff  }
.LBB2_3:
0x66: {  	s1 =	sand.u32 $0x1E00, s23;
	s24 =	sand.u32 $0x180, s22;
	s21 =	sadd.s32 $0x80, s21;
	v29 =	vor.u32 v0, v37;
	v37 =	vor.u32 v0, v39;
	v39 =	vld.idx.msk [tilespmem:v16+s4+$0x0], $0xffff;
	v16 =	vor.u32 v0, v38  }
0x67: {  	v35 =	vmul.f32 v35, v15;
	v20 =	vmul.f32 v20, v7;
	v7 =	vmovc v8;
	s1 =	sor.u32 s24, s1;
	p1 =	slt.u32 s21, $0x1F80;
	v38 =	vld.idx.msk [tilespmem:v17+s4+$0x0], $0xffff;
	v17 =	vmov v37  }
0x68: {  	v21 =	vmul.f32 v21, v6;
	v24 =	vmul.f32 v24, v2;
	v6 =	vmovc v9;
	v2 =	vmov v10;
	v15 =	vld [tilespmem:s1+$0x8170]  }
0x69: {  	v25 =	vmul.f32 v25, v1;
	v26 =	vmul.f32 v26, v4;
	v1 =	vmovc v11;
	v35 =	vadd.f32 v35, v36;
	v8 =	vld [tilespmem:s1+$0x8100]  }
0x6a: {  	v27 =	vmul.f32 v27, v5;
	v28 =	vmul.f32 v28, v3;
	v4 =	vmovc v12;
	v20 =	vadd.f32 v20, v31;
	v9 =	vld [tilespmem:s1+$0x8110]  }
0x6b: {  	v5 =	vmovc v13;
	v3 =	vmov v14;
	v21 =	vadd.f32 v21, v30;
	v24 =	vadd.f32 v24, v32;
	v10 =	vld [tilespmem:s1+$0x8120];
	[tilespmem:s17+$0x10170] =	vst v35  }
0x6c: {  	v11 =	vld [tilespmem:s1+$0x8130];
	[tilespmem:s10+$0x10100] =	vst v20;
	v20 =	vadd.f32 v25, v33;
	v25 =	vadd.f32 v26, v34  }
0x6d: {  	v27 =	vadd.f32 v27, v39;
	v28 =	vadd.f32 v28, v38;
	v12 =	vld [tilespmem:s1+$0x8140];
	v26 =	vmul.f32 $8.184000000e+03, v15;
	[tilespmem:s10+$0x10110] =	vst v21  }
0x6e: {  	v21 =	vmul.f32 $8.184000000e+03, v8;
	v13 =	vld [tilespmem:s1+$0x8150];
	[tilespmem:s10+$0x10120] =	vst v24  }
0x6f: {  	v24 =	vmul.f32 $8.184000000e+03, v9;
	v14 =	vld [tilespmem:s1+$0x8160];
	v26 =	vadd.f32 $8.396808000e+06, v26;
	[tilespmem:s10+$0x10130] =	vst v20  }
0x70: {  	v30 =	vadd.f32 $8.396808000e+06, v21;
	v31 =	vmul.f32 $8.184000000e+03, v10;
	v20 =	vld.idx.msk [tilespmem:v22+s18+$0x0], $0xffff;
	[tilespmem:s10+$0x10140] =	vst v25  }
0x71: {  	v32 =	vadd.f32 $8.396808000e+06, v24;
	v25 =	vmul.f32 $8.184000000e+03, v11;
	v24 =	vmax.f32 v26, $8.388608000e+06;
	v21 =	vld.idx.msk [tilespmem:v23+s18+$0x0], $0xffff;
	[tilespmem:s10+$0x10150] =	vst v27  }
0x72: {  	v31 =	vadd.f32 $8.396808000e+06, v31;
	v26 =	vmul.f32 $8.184000000e+03, v12;
	v27 =	vmin.f32 v24, $8.404992000e+06;
	v24 =	vld.idx.msk [tilespmem:v19+s18+$0x0], $0xffff;
	[tilespmem:s10+$0x10160] =	vst v28;
	s10 =	smov.u32 s17;
	s17 =	smov.u32 s1  }
0x73: {  	v28 =	vadd.f32 $8.396808000e+06, v25;
	v33 =	vmul.f32 $8.184000000e+03, v13;
	v27 =	vand.u32 $0xFFFFF0, v27;
	v25 =	vld.idx.msk [tilespmem:v18+s18+$0x0], $0xffff  }
0x74: {  	v34 =	vadd.f32 $8.396808000e+06, v26;
	v35 =	vmul.f32 $8.184000000e+03, v14;
	v36 =	vor.u32 v0, v27;
	v26 =	vld.idx.msk [tilespmem:v29+s18+$0x0], $0xffff  }
0x75: {  	v30 =	vmax.f32 v30, $8.388608000e+06;
	v32 =	vmax.f32 v32, $8.388608000e+06;
	v33 =	vadd.f32 $8.396808000e+06, v33;
	v27 =	vld.idx.msk [tilespmem:v16+s18+$0x0], $0xffff  }
0x76: {  	v37 =	vmax.f32 v31, $8.388608000e+06;
	v38 =	vmax.f32 v28, $8.388608000e+06;
	v35 =	vadd.f32 $8.396808000e+06, v35;
	v28 =	vld.idx.msk [tilespmem:v17+s18+$0x0], $0xffff  }
0x77: {  	v39 =	vmin.f32 v30, $8.404992000e+06;
	v34 =	vmax.f32 v34, $8.388608000e+06;
	v33 =	vmax.f32 v33, $8.388608000e+06;
	v31 =	vld.idx.msk [tilespmem:v22+s4+$0x0], $0xffff  }
0x78: {  	v37 =	vmin.f32 v37, $8.404992000e+06;
	v22 =	vmin.f32 v32, $8.404992000e+06;
	v32 =	vmax.f32 v35, $8.388608000e+06;
	v30 =	vld.idx.msk [tilespmem:v23+s4+$0x0], $0xffff  }
.Ltmp2:
0x79: {  	v34 =	vmin.f32 v34, $8.404992000e+06;
	v23 =	vmin.f32 v38, $8.404992000e+06;
	v33 =	vmin.f32 v33, $8.404992000e+06;
	v35 =	vld.idx.msk [tilespmem:v36+s18+$0x0], $0xffff;
	(pc) =	sbr.rel @p1 .LBB2_3-.Ltmp2, $4  }
0x7a: {  	v38 =	vand.u32 $0xFFFFF0, v39;
	v40 =	vand.u32 $0xFFFFF0, v22;
	v39 =	vmin.f32 v32, $8.404992000e+06;
	v32 =	vld.idx.msk [tilespmem:v19+s4+$0x0], $0xffff  }
0x7b: {  	v41 =	vand.u32 $0xFFFFF0, v23;
	v19 =	vand.u32 $0xFFFFF0, v37;
	v37 =	vand.u32 $0xFFFFF0, v34;
	v36 =	vld.idx.msk [tilespmem:v36+s4+$0x0], $0xffff  }
0x7c: {  	v22 =	vor.u32 v0, v38;
	v38 =	vand.u32 $0xFFFFF0, v33;
	v39 =	vand.u32 $0xFFFFF0, v39;
	v33 =	vld.idx.msk [tilespmem:v18+s4+$0x0], $0xffff  }
0x7d: {  	s22 =	sadd.s32 $0x8, s22;
	s23 =	sadd.s32 $0x200, s23;
	v23 =	vor.u32 v0, v40;
	v19 =	vor.u32 v0, v19;
	v18 =	vor.u32 v0, v41;
	v34 =	vld.idx.msk [tilespmem:v29+s4+$0x0], $0xffff  }
0x7e: {  	_ =	sdelay $0x3  }
0x7f: {  	v16 =	vld.idx.msk [tilespmem:v16+s4+$0x0], $0xffff  }
0x80: {  	v17 =	vld.idx.msk [tilespmem:v17+s4+$0x0], $0xffff  }
0x81: {  	v50 =	vld.idx.msk [tilespmem:v22+s18+$0x0], $0xffff  }
0x82: {  	v40 =	vld.idx.msk [tilespmem:v23+s18+$0x0], $0xffff  }
0x83: {  	v29 =	vor.u32 v0, v37;
	v51 =	vld.idx.msk [tilespmem:v19+s18+$0x0], $0xffff;
	v2 =	vmul.f32 v24, v2  }
0x84: {  	v49 =	vor.u32 v0, v38;
	v15 =	vmul.f32 v35, v15;
	v52 =	vld.idx.msk [tilespmem:v18+s18+$0x0], $0xffff  }
0x85: {  	v39 =	vor.u32 v0, v39;
	v7 =	vmul.f32 v20, v7;
	v56 =	vld.idx.msk [tilespmem:v22+s4+$0x0], $0xffff;
	v2 =	vadd.f32 v2, v32  }
0x86: {  	v6 =	vmul.f32 v21, v6;
	v57 =	vld.idx.msk [tilespmem:v23+s4+$0x0], $0xffff;
	v15 =	vadd.f32 v15, v36  }
0x87: {  	v1 =	vmul.f32 v25, v1;
	v7 =	vadd.f32 v7, v31;
	[tilespmem:s10+$0x10120] =	vst v2;
	v2 =	vld.idx.msk [tilespmem:v19+s4+$0x0], $0xffff  }
0x88: {  	v4 =	vmul.f32 v26, v4;
	v6 =	vadd.f32 v6, v30;
	[tilespmem:s17+$0x10170] =	vst v15;
	v53 =	vld.idx.msk [tilespmem:v29+s18+$0x0], $0xffff  }
0x89: {  	v5 =	vmul.f32 v27, v5;
	v1 =	vadd.f32 v1, v33;
	[tilespmem:s10+$0x10100] =	vst v7;
	v54 =	vld.idx.msk [tilespmem:v49+s18+$0x0], $0xffff  }
0x8a: {  	v3 =	vmul.f32 v28, v3;
	[tilespmem:s10+$0x10110] =	vst v6;
	v4 =	vadd.f32 v4, v34;
	v55 =	vld.idx.msk [tilespmem:v39+s18+$0x0], $0xffff  }
0x8b: {  	v5 =	vadd.f32 v5, v16;
	[tilespmem:s10+$0x10130] =	vst v1;
	v1 =	vld.idx.msk [tilespmem:v18+s4+$0x0], $0xffff;
	v8 =	vmul.f32 v50, v8  }
0x8c: {  	v3 =	vadd.f32 v3, v17;
	v58 =	vld.idx.msk [tilespmem:v29+s4+$0x0], $0xffff;
	v9 =	vmul.f32 v40, v9;
	[tilespmem:s10+$0x10140] =	vst v4  }
0x8d: {  	v59 =	vld.idx.msk [tilespmem:v49+s4+$0x0], $0xffff;
	v10 =	vmul.f32 v51, v10;
	[tilespmem:s10+$0x10150] =	vst v5;
	v7 =	vadd.f32 v8, v56  }
0x8e: {  	v60 =	vmul.f32 v52, v11;
	[tilespmem:s10+$0x10160] =	vst v3;
	v3 =	vld.idx.msk [tilespmem:v39+s4+$0x0], $0xffff;
	v6 =	vadd.f32 v9, v57  }
0x8f: {  	v2 =	vadd.f32 v10, v2;
	[tilespmem:s17+$0x10100] =	vst v7;
	v61 =	vmul.f32 v53, v12  }
0x90: {  	[tilespmem:s17+$0x10110] =	vst v6;
	v62 =	vmul.f32 v54, v13;
	v1 =	vadd.f32 v60, v1  }
0x91: {  	p1 =	sne.s32 s12, $0xF;
	v63 =	vmul.f32 v55, v14;
	[tilespmem:s17+$0x10120] =	vst v2;
	v4 =	vadd.f32 v61, v58  }
.Ltmp3:
0x92: {  	v2 =	vadd.f32 v62, v59;
	[tilespmem:s17+$0x10130] =	vst v1;
	(pc) =	sbr.rel @p1 .LBB2_6-.Ltmp3, $4  }
0x93: {  	v1 =	vadd.f32 v63, v3;
	[tilespmem:s17+$0x10140] =	vst v4  }
0x94: {  	s10 =	sshrl.u32 s11, $0x3;
	[tilespmem:s17+$0x10150] =	vst v2  }
0x95: {  	s1 =	sadd.s32 s3, s10;
	[tilespmem:s17+$0x10160] =	vst v1  }
0x96: {  	[hbm4b:s1+s19] =	stream.strided.scatter [tilespmem:s26], [sflag:$0x5], $0x2000, s20, s19, $0x38;
	[tilespmem:$0x18100] =	vst v63  }
.Ltmp4:
0x97: {  	(pc) =	sbr.rel .LBB2_7-.Ltmp4, $4  }
0x98: {  	_ = 	snop  }
0x99: {  	_ =	swait.ge [sflag:s28], $0x2000  }
0x9a: {  	[sflag:s28] =	ssyncset.done $0x0  }
0x9b: {  	[sflag:s28] =	ssyncadd.s32 $0xFFFFE000  }
.LBB2_6:
0x9c: {  	s1 =	sadd.s32 s16, s13  }
0x9d: {  	s11 =	rddreg [dreg:$0x0];
	s1 =	sshrl.u32 s1, $0x3  }
.Ltmp5:
0x9e: {  	s24 =	simm.s32 $0x8100;
	s1 =	sadd.s32 s11, s1;
	(pc) =	sbr.rel @p0 .LBB2_8-.Ltmp5, $4  }
0x9f: {  	[tilespmem:s24], [sflag:$0x1] =	stream.strided.gather [hbm4b:s1+s19], $0x2000, s20, s19, $0x38;
	[tilespmem:$0x18100] =	vst v63  }
0xa0: {  	_ =	swait.ge [sflag:s28], $0x2000  }
0xa1: {  	[sflag:s28] =	ssyncset.done $0x0  }
0xa2: {  	[sflag:s28] =	ssyncadd.s32 $0xFFFFE000  }
.LBB2_7:
0xa3: {  	_ =	swait.ge [sflag:s29], $0x2000  }
0xa4: {  	[sflag:s29] =	ssyncset.done $0x0  }
0xa5: {  	[sflag:s29] =	ssyncadd.s32 $0xFFFFE000  }
.LBB2_8:
0xa6: {  	s1 =	simm.s32 $0x0  }
0xa7: {  	s11 =	sand.u32 $0x1E00, s1;
	s1 =	sand.u32 $0x180, s1  }
0xa8: {  	s17 =	sor.u32 s1, s11  }
0xa9: {  	v13 =	vld [tilespmem:s17+$0xA170]  }
0xaa: {  	v7 =	vld [tilespmem:s17+$0xA100]  }
0xab: {  	v6 =	vld [tilespmem:s17+$0xA110]  }
0xac: {  	v2 =	vld [tilespmem:s17+$0xA120]  }
0xad: {  	v1 =	vld [tilespmem:s17+$0xA130]  }
0xae: {  	v4 =	vld [tilespmem:s17+$0xA140]  }
0xaf: {  	v5 =	vld [tilespmem:s17+$0xA150]  }
0xb0: {  	v3 =	vmul.f32 $8.184000000e+03, v13  }
0xb1: {  	v8 =	vmul.f32 $8.184000000e+03, v7;
	v10 =	vmul.f32 $8.184000000e+03, v6  }
0xb2: {  	v11 =	vmul.f32 $8.184000000e+03, v2;
	v12 =	vmul.f32 $8.184000000e+03, v1  }
0xb3: {  	v14 =	vmul.f32 $8.184000000e+03, v4;
	v3 =	vadd.f32 $8.396808000e+06, v3;
	v8 =	vadd.f32 $8.396808000e+06, v8  }
0xb4: {  	v15 =	vmul.f32 $8.184000000e+03, v5;
	v10 =	vadd.f32 $8.396808000e+06, v10;
	v11 =	vadd.f32 $8.396808000e+06, v11  }
0xb5: {  	s23 =	simm.s32 $0x8;
	s24 =	simm.s32 $0x200;
	v12 =	vadd.f32 $8.396808000e+06, v12;
	v14 =	vadd.f32 $8.396808000e+06, v14  }
0xb6: {  	s11 =	sand.u32 $0x1E00, s24;
	s1 =	sand.u32 $0x180, s23;
	v15 =	vadd.f32 $8.396808000e+06, v15;
	v9 =	vmax.f32 v3, $8.388608000e+06;
	v10 =	vmax.f32 v10, $8.388608000e+06  }
0xb7: {  	s11 =	sor.u32 s1, s11;
	v3 =	vld [tilespmem:s17+$0xA160];
	v11 =	vmax.f32 v11, $8.388608000e+06;
	v12 =	vmax.f32 v12, $8.388608000e+06;
	v14 =	vmax.f32 v14, $8.388608000e+06  }
0xb8: {  	v18 =	vmax.f32 v15, $8.388608000e+06;
	v15 =	vld [tilespmem:s11+$0xA170];
	v9 =	vmin.f32 v9, $8.404992000e+06;
	v11 =	vmin.f32 v11, $8.404992000e+06  }
0xb9: {  	v12 =	vmin.f32 v12, $8.404992000e+06;
	v9 =	vand.u32 $0xFFFFF0, v9;
	v11 =	vand.u32 $0xFFFFF0, v11  }
0xba: {  	v12 =	vand.u32 $0xFFFFF0, v12;
	v9 =	vor.u32 v0, v9;
	v29 =	vor.u32 v0, v11;
	v11 =	vld [tilespmem:s11+$0xA130]  }
0xbb: {  	v10 =	vmin.f32 v10, $8.404992000e+06;
	v14 =	vmin.f32 v14, $8.404992000e+06;
	v33 =	vor.u32 v0, v12;
	v12 =	vld [tilespmem:s11+$0xA140]  }
0xbc: {  	v20 =	vand.u32 $0xFFFFF0, v10;
	v14 =	vand.u32 $0xFFFFF0, v14;
	v16 =	vmul.f32 $8.184000000e+03, v3  }
0xbd: {  	v23 =	vor.u32 v0, v20;
	v34 =	vor.u32 v0, v14;
	v14 =	vld [tilespmem:s11+$0xA160];
	v20 =	vmul.f32 $8.184000000e+03, v15  }
0xbe: {  	v8 =	vmax.f32 v8, $8.388608000e+06;
	v10 =	vld [tilespmem:s11+$0xA120];
	v16 =	vadd.f32 $8.396808000e+06, v16  }
0xbf: {  	v8 =	vmin.f32 v8, $8.404992000e+06;
	v25 =	vadd.f32 $8.396808000e+06, v20;
	v17 =	vld.idx.msk [tilespmem:v9+s18+$0x0], $0xffff  }
0xc0: {  	v19 =	vld.idx.msk [tilespmem:v9+s4+$0x0], $0xffff;
	v26 =	vmul.f32 $8.184000000e+03, v11;
	v30 =	vmul.f32 $8.184000000e+03, v12;
	v9 =	vmax.f32 v16, $8.388608000e+06  }
0xc1: {  	v16 =	vmin.f32 v18, $8.404992000e+06;
	v18 =	vand.u32 $0xFFFFF0, v8;
	v8 =	vld [tilespmem:s11+$0xA100];
	v25 =	vmax.f32 v25, $8.388608000e+06  }
0xc2: {  	v35 =	vmul.f32 $8.184000000e+03, v14;
	v21 =	vmin.f32 v9, $8.404992000e+06;
	v9 =	vld [tilespmem:s11+$0xA110];
	v25 =	vmin.f32 v25, $8.404992000e+06  }
0xc3: {  	v18 =	vor.u32 v0, v18;
	v31 =	vadd.f32 $8.396808000e+06, v26;
	v26 =	vand.u32 $0xFFFFF0, v25;
	v25 =	vld.idx.msk [tilespmem:v33+s18+$0x0], $0xffff  }
0xc4: {  	v16 =	vand.u32 $0xFFFFF0, v16;
	v30 =	vadd.f32 $8.396808000e+06, v30;
	v35 =	vadd.f32 $8.396808000e+06, v35;
	v33 =	vld.idx.msk [tilespmem:v33+s4+$0x0], $0xffff  }
0xc5: {  	v21 =	vand.u32 $0xFFFFF0, v21;
	v16 =	vor.u32 v0, v16;
	v36 =	vor.u32 v0, v26;
	v26 =	vld.idx.msk [tilespmem:v34+s18+$0x0], $0xffff  }
0xc6: {  	v39 =	vmax.f32 v31, $8.388608000e+06;
	v40 =	vmax.f32 v30, $8.388608000e+06;
	v22 =	vmul.f32 v17, v13;
	v13 =	vld [tilespmem:s11+$0xA150]  }
0xc7: {  	v61 =	vmax.f32 v35, $8.388608000e+06;
	v30 =	vld.idx.msk [tilespmem:v23+s4+$0x0], $0xffff;
	v17 =	vor.u32 v0, v21;
	v24 =	vmul.f32 $8.184000000e+03, v8  }
0xc8: {  	v34 =	vld.idx.msk [tilespmem:v34+s4+$0x0], $0xffff;
	v62 =	vmin.f32 v40, $8.404992000e+06;
	v42 =	vmin.f32 v61, $8.404992000e+06;
	v21 =	vmul.f32 $8.184000000e+03, v9  }
0xc9: {  	v19 =	vadd.f32 v22, v19;
	v20 =	vld.idx.msk [tilespmem:v18+s18+$0x0], $0xffff;
	v27 =	vadd.f32 $8.396808000e+06, v24;
	v24 =	vmul.f32 $8.184000000e+03, v10  }
0xca: {  	v22 =	vld.idx.msk [tilespmem:v23+s18+$0x0], $0xffff;
	v23 =	vmin.f32 v39, $8.404992000e+06;
	v39 =	vand.u32 $0xFFFFF0, v42;
	v21 =	vadd.f32 $8.396808000e+06, v21  }
0xcb: {  	v31 =	vld.idx.msk [tilespmem:v18+s4+$0x0], $0xffff;
	v28 =	vadd.f32 $8.396808000e+06, v24;
	v32 =	vmul.f32 $8.184000000e+03, v13;
	v37 =	vmax.f32 v27, $8.388608000e+06  }
0xcc: {  	v43 =	vand.u32 $0xFFFFF0, v23;
	v35 =	vld.idx.msk [tilespmem:v36+s18+$0x0], $0xffff;
	v21 =	vmax.f32 v21, $8.388608000e+06;
	v37 =	vmin.f32 v37, $8.404992000e+06  }
0xcd: {  	v36 =	vld.idx.msk [tilespmem:v36+s4+$0x0], $0xffff;
	v32 =	vadd.f32 $8.396808000e+06, v32;
	v38 =	vmax.f32 v28, $8.388608000e+06;
	v18 =	vmin.f32 v21, $8.404992000e+06  }
0xce: {  	v24 =	vld.idx.msk [tilespmem:v29+s18+$0x0], $0xffff;
	v41 =	vand.u32 $0xFFFFF0, v37;
	v37 =	vand.u32 $0xFFFFF0, v62;
	v18 =	vand.u32 $0xFFFFF0, v18  }
0xcf: {  	v27 =	vld.idx.msk [tilespmem:v16+s18+$0x0], $0xffff;
	v21 =	vmin.f32 v38, $8.404992000e+06;
	v32 =	vmax.f32 v32, $8.388608000e+06;
	v23 =	vor.u32 v0, v18  }
0xd0: {  	v18 =	vor.u32 v0, v43;
	v63 =	vmin.f32 v32, $8.404992000e+06;
	v32 =	vld.idx.msk [tilespmem:v29+s4+$0x0], $0xffff;
	v29 =	vand.u32 $0xFFFFF0, v21  }
0xd1: {  	s21 =	simm.s32 $0x80;
	s22 =	simm.s32 $0x10;
	s23 =	simm.s32 $0x400;
	[tilespmem:s17+$0x12170] =	vst v19;
	v28 =	vld.idx.msk [tilespmem:v17+s18+$0x0], $0xffff;
	v21 =	vor.u32 v0, v41;
	v38 =	vand.u32 $0xFFFFF0, v63;
	v19 =	vor.u32 v0, v29  }
.LBB2_9:
0xd2: {  	s1 =	sand.u32 $0x1E00, s23;
	s24 =	sand.u32 $0x180, s22;
	s21 =	sadd.s32 $0x80, s21;
	v29 =	vor.u32 v0, v37;
	v37 =	vor.u32 v0, v39;
	v39 =	vld.idx.msk [tilespmem:v16+s4+$0x0], $0xffff;
	v16 =	vor.u32 v0, v38  }
0xd3: {  	v35 =	vmul.f32 v35, v15;
	v20 =	vmul.f32 v20, v7;
	v7 =	vmovc v8;
	s1 =	sor.u32 s24, s1;
	p2 =	slt.u32 s21, $0x1F80;
	v38 =	vld.idx.msk [tilespmem:v17+s4+$0x0], $0xffff;
	v17 =	vmov v37  }
0xd4: {  	v22 =	vmul.f32 v22, v6;
	v24 =	vmul.f32 v24, v2;
	v6 =	vmovc v9;
	v2 =	vmov v10;
	v15 =	vld [tilespmem:s1+$0xA170]  }
0xd5: {  	v25 =	vmul.f32 v25, v1;
	v26 =	vmul.f32 v26, v4;
	v1 =	vmovc v11;
	v35 =	vadd.f32 v35, v36;
	v8 =	vld [tilespmem:s1+$0xA100]  }
0xd6: {  	v27 =	vmul.f32 v27, v5;
	v28 =	vmul.f32 v28, v3;
	v4 =	vmovc v12;
	v20 =	vadd.f32 v20, v31;
	v9 =	vld [tilespmem:s1+$0xA110]  }
0xd7: {  	v5 =	vmovc v13;
	v3 =	vmov v14;
	v22 =	vadd.f32 v22, v30;
	v24 =	vadd.f32 v24, v32;
	v10 =	vld [tilespmem:s1+$0xA120];
	[tilespmem:s11+$0x12170] =	vst v35  }
0xd8: {  	v11 =	vld [tilespmem:s1+$0xA130];
	[tilespmem:s17+$0x12100] =	vst v20;
	v20 =	vadd.f32 v25, v33;
	v25 =	vadd.f32 v26, v34  }
0xd9: {  	v27 =	vadd.f32 v27, v39;
	v28 =	vadd.f32 v28, v38;
	v12 =	vld [tilespmem:s1+$0xA140];
	v26 =	vmul.f32 $8.184000000e+03, v15;
	[tilespmem:s17+$0x12110] =	vst v22  }
0xda: {  	v22 =	vmul.f32 $8.184000000e+03, v8;
	v13 =	vld [tilespmem:s1+$0xA150];
	[tilespmem:s17+$0x12120] =	vst v24  }
0xdb: {  	v24 =	vmul.f32 $8.184000000e+03, v9;
	v14 =	vld [tilespmem:s1+$0xA160];
	v26 =	vadd.f32 $8.396808000e+06, v26;
	[tilespmem:s17+$0x12130] =	vst v20  }
0xdc: {  	v30 =	vadd.f32 $8.396808000e+06, v22;
	v31 =	vmul.f32 $8.184000000e+03, v10;
	v20 =	vld.idx.msk [tilespmem:v21+s18+$0x0], $0xffff;
	[tilespmem:s17+$0x12140] =	vst v25  }
0xdd: {  	v32 =	vadd.f32 $8.396808000e+06, v24;
	v25 =	vmul.f32 $8.184000000e+03, v11;
	v24 =	vmax.f32 v26, $8.388608000e+06;
	v22 =	vld.idx.msk [tilespmem:v23+s18+$0x0], $0xffff;
	[tilespmem:s17+$0x12150] =	vst v27  }
0xde: {  	v31 =	vadd.f32 $8.396808000e+06, v31;
	v26 =	vmul.f32 $8.184000000e+03, v12;
	v27 =	vmin.f32 v24, $8.404992000e+06;
	v24 =	vld.idx.msk [tilespmem:v19+s18+$0x0], $0xffff;
	[tilespmem:s17+$0x12160] =	vst v28;
	s17 =	smov.u32 s11;
	s11 =	smov.u32 s1  }
0xdf: {  	v28 =	vadd.f32 $8.396808000e+06, v25;
	v33 =	vmul.f32 $8.184000000e+03, v13;
	v27 =	vand.u32 $0xFFFFF0, v27;
	v25 =	vld.idx.msk [tilespmem:v18+s18+$0x0], $0xffff  }
0xe0: {  	v34 =	vadd.f32 $8.396808000e+06, v26;
	v35 =	vmul.f32 $8.184000000e+03, v14;
	v36 =	vor.u32 v0, v27;
	v26 =	vld.idx.msk [tilespmem:v29+s18+$0x0], $0xffff  }
0xe1: {  	v30 =	vmax.f32 v30, $8.388608000e+06;
	v32 =	vmax.f32 v32, $8.388608000e+06;
	v33 =	vadd.f32 $8.396808000e+06, v33;
	v27 =	vld.idx.msk [tilespmem:v16+s18+$0x0], $0xffff  }
0xe2: {  	v37 =	vmax.f32 v31, $8.388608000e+06;
	v38 =	vmax.f32 v28, $8.388608000e+06;
	v35 =	vadd.f32 $8.396808000e+06, v35;
	v28 =	vld.idx.msk [tilespmem:v17+s18+$0x0], $0xffff  }
0xe3: {  	v39 =	vmin.f32 v30, $8.404992000e+06;
	v34 =	vmax.f32 v34, $8.388608000e+06;
	v33 =	vmax.f32 v33, $8.388608000e+06;
	v31 =	vld.idx.msk [tilespmem:v21+s4+$0x0], $0xffff  }
0xe4: {  	v37 =	vmin.f32 v37, $8.404992000e+06;
	v21 =	vmin.f32 v32, $8.404992000e+06;
	v32 =	vmax.f32 v35, $8.388608000e+06;
	v30 =	vld.idx.msk [tilespmem:v23+s4+$0x0], $0xffff  }
.Ltmp6:
0xe5: {  	v34 =	vmin.f32 v34, $8.404992000e+06;
	v23 =	vmin.f32 v38, $8.404992000e+06;
	v33 =	vmin.f32 v33, $8.404992000e+06;
	v35 =	vld.idx.msk [tilespmem:v36+s18+$0x0], $0xffff;
	(pc) =	sbr.rel @p2 .LBB2_9-.Ltmp6, $4  }
0xe6: {  	v38 =	vand.u32 $0xFFFFF0, v39;
	v40 =	vand.u32 $0xFFFFF0, v21;
	v39 =	vmin.f32 v32, $8.404992000e+06;
	v32 =	vld.idx.msk [tilespmem:v19+s4+$0x0], $0xffff  }
0xe7: {  	v41 =	vand.u32 $0xFFFFF0, v23;
	v19 =	vand.u32 $0xFFFFF0, v37;
	v37 =	vand.u32 $0xFFFFF0, v34;
	v36 =	vld.idx.msk [tilespmem:v36+s4+$0x0], $0xffff  }
0xe8: {  	v21 =	vor.u32 v0, v38;
	v38 =	vand.u32 $0xFFFFF0, v33;
	v39 =	vand.u32 $0xFFFFF0, v39;
	v33 =	vld.idx.msk [tilespmem:v18+s4+$0x0], $0xffff  }
0xe9: {  	s22 =	sadd.s32 $0x8, s22;
	s23 =	sadd.s32 $0x200, s23;
	v23 =	vor.u32 v0, v40;
	v19 =	vor.u32 v0, v19;
	v18 =	vor.u32 v0, v41;
	v34 =	vld.idx.msk [tilespmem:v29+s4+$0x0], $0xffff  }
0xea: {  	_ =	sdelay $0x3  }
0xeb: {  	v16 =	vld.idx.msk [tilespmem:v16+s4+$0x0], $0xffff  }
0xec: {  	v17 =	vld.idx.msk [tilespmem:v17+s4+$0x0], $0xffff  }
0xed: {  	v50 =	vld.idx.msk [tilespmem:v21+s18+$0x0], $0xffff  }
0xee: {  	v40 =	vld.idx.msk [tilespmem:v23+s18+$0x0], $0xffff  }
0xef: {  	v29 =	vor.u32 v0, v37;
	v51 =	vld.idx.msk [tilespmem:v19+s18+$0x0], $0xffff;
	v2 =	vmul.f32 v24, v2  }
0xf0: {  	v49 =	vor.u32 v0, v38;
	v15 =	vmul.f32 v35, v15;
	v52 =	vld.idx.msk [tilespmem:v18+s18+$0x0], $0xffff  }
0xf1: {  	v39 =	vor.u32 v0, v39;
	v7 =	vmul.f32 v20, v7;
	v56 =	vld.idx.msk [tilespmem:v21+s4+$0x0], $0xffff;
	v2 =	vadd.f32 v2, v32  }
0xf2: {  	v6 =	vmul.f32 v22, v6;
	v57 =	vld.idx.msk [tilespmem:v23+s4+$0x0], $0xffff;
	v15 =	vadd.f32 v15, v36  }
0xf3: {  	v1 =	vmul.f32 v25, v1;
	v7 =	vadd.f32 v7, v31;
	[tilespmem:s17+$0x12120] =	vst v2;
	v2 =	vld.idx.msk [tilespmem:v19+s4+$0x0], $0xffff  }
0xf4: {  	v4 =	vmul.f32 v26, v4;
	v6 =	vadd.f32 v6, v30;
	[tilespmem:s11+$0x12170] =	vst v15;
	v53 =	vld.idx.msk [tilespmem:v29+s18+$0x0], $0xffff  }
0xf5: {  	v5 =	vmul.f32 v27, v5;
	v1 =	vadd.f32 v1, v33;
	[tilespmem:s17+$0x12100] =	vst v7;
	v54 =	vld.idx.msk [tilespmem:v49+s18+$0x0], $0xffff  }
0xf6: {  	v3 =	vmul.f32 v28, v3;
	[tilespmem:s17+$0x12110] =	vst v6;
	v4 =	vadd.f32 v4, v34;
	v55 =	vld.idx.msk [tilespmem:v39+s18+$0x0], $0xffff  }
0xf7: {  	v5 =	vadd.f32 v5, v16;
	[tilespmem:s17+$0x12130] =	vst v1;
	v1 =	vld.idx.msk [tilespmem:v18+s4+$0x0], $0xffff;
	v8 =	vmul.f32 v50, v8  }
0xf8: {  	v3 =	vadd.f32 v3, v17;
	v58 =	vld.idx.msk [tilespmem:v29+s4+$0x0], $0xffff;
	v9 =	vmul.f32 v40, v9;
	[tilespmem:s17+$0x12140] =	vst v4  }
0xf9: {  	v59 =	vld.idx.msk [tilespmem:v49+s4+$0x0], $0xffff;
	v10 =	vmul.f32 v51, v10;
	[tilespmem:s17+$0x12150] =	vst v5;
	v7 =	vadd.f32 v8, v56  }
0xfa: {  	v60 =	vmul.f32 v52, v11;
	[tilespmem:s17+$0x12160] =	vst v3;
	v3 =	vld.idx.msk [tilespmem:v39+s4+$0x0], $0xffff;
	v6 =	vadd.f32 v9, v57  }
0xfb: {  	v2 =	vadd.f32 v10, v2;
	[tilespmem:s11+$0x12100] =	vst v7;
	v61 =	vmul.f32 v53, v12  }
0xfc: {  	[tilespmem:s11+$0x12110] =	vst v6;
	v62 =	vmul.f32 v54, v13;
	v1 =	vadd.f32 v60, v1  }
0xfd: {  	v63 =	vmul.f32 v55, v14;
	[tilespmem:s11+$0x12120] =	vst v2;
	v4 =	vadd.f32 v61, v58  }
.Ltmp7:
0xfe: {  	v2 =	vadd.f32 v62, v59;
	[tilespmem:s11+$0x12130] =	vst v1;
	(pc) =	sbr.rel @p1 .LBB2_12-.Ltmp7, $4  }
0xff: {  	v1 =	vadd.f32 v63, v3;
	[tilespmem:s11+$0x12140] =	vst v4  }
0x100: {  	[tilespmem:s11+$0x12150] =	vst v2  }
0x101: {  	s1 =	sadd.s32 s10, s14;
	[tilespmem:s11+$0x12160] =	vst v1  }
0x102: {  	[hbm4b:s1+s19] =	stream.strided.scatter [tilespmem:s30], [sflag:$0x6], $0x2000, s20, s19, $0x38;
	[tilespmem:$0x18100] =	vst v63  }
.Ltmp8:
0x103: {  	(pc) =	sbr.rel .LBB2_13-.Ltmp8, $4  }
0x104: {  	_ = 	snop  }
0x105: {  	_ =	swait.ge [sflag:s31], $0x2000  }
0x106: {  	[sflag:s31] =	ssyncset.done $0x0  }
0x107: {  	[sflag:s31] =	ssyncadd.s32 $0xFFFFE000  }
.LBB2_12:
0x108: {  	s1 =	sadd.s32 s16, s13  }
0x109: {  	s1 =	sshrl.u32 s1, $0x3  }
.Ltmp9:
0x10a: {  	s11 =	simm.s32 $0xA100;
	s1 =	sadd.s32 s1, s8;
	(pc) =	sbr.rel @p0 .LBB2_14-.Ltmp9, $4  }
0x10b: {  	[tilespmem:s11], [sflag:$0x2] =	stream.strided.gather [hbm4b:s1+s19], $0x2000, s20, s19, $0x38;
	[tilespmem:$0x18100] =	vst v63  }
0x10c: {  	_ =	swait.ge [sflag:s31], $0x2000  }
0x10d: {  	[sflag:s31] =	ssyncset.done $0x0  }
0x10e: {  	[sflag:s31] =	ssyncadd.s32 $0xFFFFE000  }
.LBB2_13:
0x10f: {  	_ =	swait.ge [sflag:s0], $0x2000  }
0x110: {  	[sflag:s0] =	ssyncset.done $0x0  }
0x111: {  	[sflag:s0] =	ssyncadd.s32 $0xFFFFE000  }
.LBB2_14:
0x112: {  	s1 =	simm.s32 $0x0  }
0x113: {  	s11 =	sand.u32 $0x1E00, s1;
	s1 =	sand.u32 $0x180, s1  }
0x114: {  	s17 =	sor.u32 s1, s11  }
0x115: {  	v13 =	vld [tilespmem:s17+$0xC170]  }
0x116: {  	v7 =	vld [tilespmem:s17+$0xC100]  }
0x117: {  	v6 =	vld [tilespmem:s17+$0xC110]  }
0x118: {  	v2 =	vld [tilespmem:s17+$0xC120]  }
0x119: {  	v1 =	vld [tilespmem:s17+$0xC130]  }
0x11a: {  	v4 =	vld [tilespmem:s17+$0xC140]  }
0x11b: {  	v5 =	vld [tilespmem:s17+$0xC150]  }
0x11c: {  	v3 =	vmul.f32 $8.184000000e+03, v13  }
0x11d: {  	v8 =	vmul.f32 $8.184000000e+03, v7;
	v10 =	vmul.f32 $8.184000000e+03, v6  }
0x11e: {  	v11 =	vmul.f32 $8.184000000e+03, v2;
	v12 =	vmul.f32 $8.184000000e+03, v1  }
0x11f: {  	v14 =	vmul.f32 $8.184000000e+03, v4;
	v3 =	vadd.f32 $8.396808000e+06, v3;
	v8 =	vadd.f32 $8.396808000e+06, v8  }
0x120: {  	v15 =	vmul.f32 $8.184000000e+03, v5;
	v10 =	vadd.f32 $8.396808000e+06, v10;
	v11 =	vadd.f32 $8.396808000e+06, v11  }
0x121: {  	s23 =	simm.s32 $0x8;
	s24 =	simm.s32 $0x200;
	v12 =	vadd.f32 $8.396808000e+06, v12;
	v14 =	vadd.f32 $8.396808000e+06, v14  }
0x122: {  	s11 =	sand.u32 $0x1E00, s24;
	s1 =	sand.u32 $0x180, s23;
	v15 =	vadd.f32 $8.396808000e+06, v15;
	v9 =	vmax.f32 v3, $8.388608000e+06;
	v10 =	vmax.f32 v10, $8.388608000e+06  }
0x123: {  	s11 =	sor.u32 s1, s11;
	v3 =	vld [tilespmem:s17+$0xC160];
	v11 =	vmax.f32 v11, $8.388608000e+06;
	v12 =	vmax.f32 v12, $8.388608000e+06;
	v14 =	vmax.f32 v14, $8.388608000e+06  }
0x124: {  	v18 =	vmax.f32 v15, $8.388608000e+06;
	v15 =	vld [tilespmem:s11+$0xC170];
	v9 =	vmin.f32 v9, $8.404992000e+06;
	v11 =	vmin.f32 v11, $8.404992000e+06  }
0x125: {  	v12 =	vmin.f32 v12, $8.404992000e+06;
	v9 =	vand.u32 $0xFFFFF0, v9;
	v11 =	vand.u32 $0xFFFFF0, v11  }
0x126: {  	v12 =	vand.u32 $0xFFFFF0, v12;
	v9 =	vor.u32 v0, v9;
	v29 =	vor.u32 v0, v11;
	v11 =	vld [tilespmem:s11+$0xC130]  }
0x127: {  	v10 =	vmin.f32 v10, $8.404992000e+06;
	v14 =	vmin.f32 v14, $8.404992000e+06;
	v33 =	vor.u32 v0, v12;
	v12 =	vld [tilespmem:s11+$0xC140]  }
0x128: {  	v20 =	vand.u32 $0xFFFFF0, v10;
	v14 =	vand.u32 $0xFFFFF0, v14;
	v16 =	vmul.f32 $8.184000000e+03, v3  }
0x129: {  	v23 =	vor.u32 v0, v20;
	v34 =	vor.u32 v0, v14;
	v14 =	vld [tilespmem:s11+$0xC160];
	v20 =	vmul.f32 $8.184000000e+03, v15  }
0x12a: {  	v8 =	vmax.f32 v8, $8.388608000e+06;
	v10 =	vld [tilespmem:s11+$0xC120];
	v16 =	vadd.f32 $8.396808000e+06, v16  }
0x12b: {  	v8 =	vmin.f32 v8, $8.404992000e+06;
	v25 =	vadd.f32 $8.396808000e+06, v20;
	v17 =	vld.idx.msk [tilespmem:v9+s18+$0x0], $0xffff  }
0x12c: {  	v19 =	vld.idx.msk [tilespmem:v9+s4+$0x0], $0xffff;
	v26 =	vmul.f32 $8.184000000e+03, v11;
	v30 =	vmul.f32 $8.184000000e+03, v12;
	v9 =	vmax.f32 v16, $8.388608000e+06  }
0x12d: {  	v16 =	vmin.f32 v18, $8.404992000e+06;
	v18 =	vand.u32 $0xFFFFF0, v8;
	v8 =	vld [tilespmem:s11+$0xC100];
	v25 =	vmax.f32 v25, $8.388608000e+06  }
0x12e: {  	v35 =	vmul.f32 $8.184000000e+03, v14;
	v21 =	vmin.f32 v9, $8.404992000e+06;
	v9 =	vld [tilespmem:s11+$0xC110];
	v25 =	vmin.f32 v25, $8.404992000e+06  }
0x12f: {  	v18 =	vor.u32 v0, v18;
	v31 =	vadd.f32 $8.396808000e+06, v26;
	v26 =	vand.u32 $0xFFFFF0, v25;
	v25 =	vld.idx.msk [tilespmem:v33+s18+$0x0], $0xffff  }
0x130: {  	v16 =	vand.u32 $0xFFFFF0, v16;
	v30 =	vadd.f32 $8.396808000e+06, v30;
	v35 =	vadd.f32 $8.396808000e+06, v35;
	v33 =	vld.idx.msk [tilespmem:v33+s4+$0x0], $0xffff  }
0x131: {  	v21 =	vand.u32 $0xFFFFF0, v21;
	v16 =	vor.u32 v0, v16;
	v36 =	vor.u32 v0, v26;
	v26 =	vld.idx.msk [tilespmem:v34+s18+$0x0], $0xffff  }
0x132: {  	v39 =	vmax.f32 v31, $8.388608000e+06;
	v40 =	vmax.f32 v30, $8.388608000e+06;
	v22 =	vmul.f32 v17, v13;
	v13 =	vld [tilespmem:s11+$0xC150]  }
0x133: {  	v61 =	vmax.f32 v35, $8.388608000e+06;
	v30 =	vld.idx.msk [tilespmem:v23+s4+$0x0], $0xffff;
	v17 =	vor.u32 v0, v21;
	v24 =	vmul.f32 $8.184000000e+03, v8  }
0x134: {  	v34 =	vld.idx.msk [tilespmem:v34+s4+$0x0], $0xffff;
	v62 =	vmin.f32 v40, $8.404992000e+06;
	v42 =	vmin.f32 v61, $8.404992000e+06;
	v21 =	vmul.f32 $8.184000000e+03, v9  }
0x135: {  	v19 =	vadd.f32 v22, v19;
	v20 =	vld.idx.msk [tilespmem:v18+s18+$0x0], $0xffff;
	v27 =	vadd.f32 $8.396808000e+06, v24;
	v24 =	vmul.f32 $8.184000000e+03, v10  }
0x136: {  	v22 =	vld.idx.msk [tilespmem:v23+s18+$0x0], $0xffff;
	v23 =	vmin.f32 v39, $8.404992000e+06;
	v39 =	vand.u32 $0xFFFFF0, v42;
	v21 =	vadd.f32 $8.396808000e+06, v21  }
0x137: {  	v31 =	vld.idx.msk [tilespmem:v18+s4+$0x0], $0xffff;
	v28 =	vadd.f32 $8.396808000e+06, v24;
	v32 =	vmul.f32 $8.184000000e+03, v13;
	v37 =	vmax.f32 v27, $8.388608000e+06  }
0x138: {  	v43 =	vand.u32 $0xFFFFF0, v23;
	v35 =	vld.idx.msk [tilespmem:v36+s18+$0x0], $0xffff;
	v21 =	vmax.f32 v21, $8.388608000e+06;
	v37 =	vmin.f32 v37, $8.404992000e+06  }
0x139: {  	v36 =	vld.idx.msk [tilespmem:v36+s4+$0x0], $0xffff;
	v32 =	vadd.f32 $8.396808000e+06, v32;
	v38 =	vmax.f32 v28, $8.388608000e+06;
	v18 =	vmin.f32 v21, $8.404992000e+06  }
0x13a: {  	v24 =	vld.idx.msk [tilespmem:v29+s18+$0x0], $0xffff;
	v41 =	vand.u32 $0xFFFFF0, v37;
	v37 =	vand.u32 $0xFFFFF0, v62;
	v18 =	vand.u32 $0xFFFFF0, v18  }
0x13b: {  	v27 =	vld.idx.msk [tilespmem:v16+s18+$0x0], $0xffff;
	v21 =	vmin.f32 v38, $8.404992000e+06;
	v32 =	vmax.f32 v32, $8.388608000e+06;
	v23 =	vor.u32 v0, v18  }
0x13c: {  	v18 =	vor.u32 v0, v43;
	v63 =	vmin.f32 v32, $8.404992000e+06;
	v32 =	vld.idx.msk [tilespmem:v29+s4+$0x0], $0xffff;
	v29 =	vand.u32 $0xFFFFF0, v21  }
0x13d: {  	s21 =	simm.s32 $0x80;
	s22 =	simm.s32 $0x10;
	s23 =	simm.s32 $0x400;
	[tilespmem:s17+$0x14170] =	vst v19;
	v28 =	vld.idx.msk [tilespmem:v17+s18+$0x0], $0xffff;
	v21 =	vor.u32 v0, v41;
	v38 =	vand.u32 $0xFFFFF0, v63;
	v19 =	vor.u32 v0, v29  }
.LBB2_15:
0x13e: {  	s1 =	sand.u32 $0x1E00, s23;
	s24 =	sand.u32 $0x180, s22;
	s21 =	sadd.s32 $0x80, s21;
	v29 =	vor.u32 v0, v37;
	v37 =	vor.u32 v0, v39;
	v39 =	vld.idx.msk [tilespmem:v16+s4+$0x0], $0xffff;
	v16 =	vor.u32 v0, v38  }
0x13f: {  	v35 =	vmul.f32 v35, v15;
	v20 =	vmul.f32 v20, v7;
	v7 =	vmovc v8;
	s1 =	sor.u32 s24, s1;
	p2 =	slt.u32 s21, $0x1F80;
	v38 =	vld.idx.msk [tilespmem:v17+s4+$0x0], $0xffff;
	v17 =	vmov v37  }
0x140: {  	v22 =	vmul.f32 v22, v6;
	v24 =	vmul.f32 v24, v2;
	v6 =	vmovc v9;
	v2 =	vmov v10;
	v15 =	vld [tilespmem:s1+$0xC170]  }
0x141: {  	v25 =	vmul.f32 v25, v1;
	v26 =	vmul.f32 v26, v4;
	v1 =	vmovc v11;
	v35 =	vadd.f32 v35, v36;
	v8 =	vld [tilespmem:s1+$0xC100]  }
0x142: {  	v27 =	vmul.f32 v27, v5;
	v28 =	vmul.f32 v28, v3;
	v4 =	vmovc v12;
	v20 =	vadd.f32 v20, v31;
	v9 =	vld [tilespmem:s1+$0xC110]  }
0x143: {  	v5 =	vmovc v13;
	v3 =	vmov v14;
	v22 =	vadd.f32 v22, v30;
	v24 =	vadd.f32 v24, v32;
	v10 =	vld [tilespmem:s1+$0xC120];
	[tilespmem:s11+$0x14170] =	vst v35  }
0x144: {  	v11 =	vld [tilespmem:s1+$0xC130];
	[tilespmem:s17+$0x14100] =	vst v20;
	v20 =	vadd.f32 v25, v33;
	v25 =	vadd.f32 v26, v34  }
0x145: {  	v27 =	vadd.f32 v27, v39;
	v28 =	vadd.f32 v28, v38;
	v12 =	vld [tilespmem:s1+$0xC140];
	v26 =	vmul.f32 $8.184000000e+03, v15;
	[tilespmem:s17+$0x14110] =	vst v22  }
0x146: {  	v22 =	vmul.f32 $8.184000000e+03, v8;
	v13 =	vld [tilespmem:s1+$0xC150];
	[tilespmem:s17+$0x14120] =	vst v24  }
0x147: {  	v24 =	vmul.f32 $8.184000000e+03, v9;
	v14 =	vld [tilespmem:s1+$0xC160];
	v26 =	vadd.f32 $8.396808000e+06, v26;
	[tilespmem:s17+$0x14130] =	vst v20  }
0x148: {  	v30 =	vadd.f32 $8.396808000e+06, v22;
	v31 =	vmul.f32 $8.184000000e+03, v10;
	v20 =	vld.idx.msk [tilespmem:v21+s18+$0x0], $0xffff;
	[tilespmem:s17+$0x14140] =	vst v25  }
0x149: {  	v32 =	vadd.f32 $8.396808000e+06, v24;
	v25 =	vmul.f32 $8.184000000e+03, v11;
	v24 =	vmax.f32 v26, $8.388608000e+06;
	v22 =	vld.idx.msk [tilespmem:v23+s18+$0x0], $0xffff;
	[tilespmem:s17+$0x14150] =	vst v27  }
0x14a: {  	v31 =	vadd.f32 $8.396808000e+06, v31;
	v26 =	vmul.f32 $8.184000000e+03, v12;
	v27 =	vmin.f32 v24, $8.404992000e+06;
	v24 =	vld.idx.msk [tilespmem:v19+s18+$0x0], $0xffff;
	[tilespmem:s17+$0x14160] =	vst v28;
	s17 =	smov.u32 s11;
	s11 =	smov.u32 s1  }
0x14b: {  	v28 =	vadd.f32 $8.396808000e+06, v25;
	v33 =	vmul.f32 $8.184000000e+03, v13;
	v27 =	vand.u32 $0xFFFFF0, v27;
	v25 =	vld.idx.msk [tilespmem:v18+s18+$0x0], $0xffff  }
0x14c: {  	v34 =	vadd.f32 $8.396808000e+06, v26;
	v35 =	vmul.f32 $8.184000000e+03, v14;
	v36 =	vor.u32 v0, v27;
	v26 =	vld.idx.msk [tilespmem:v29+s18+$0x0], $0xffff  }
0x14d: {  	v30 =	vmax.f32 v30, $8.388608000e+06;
	v32 =	vmax.f32 v32, $8.388608000e+06;
	v33 =	vadd.f32 $8.396808000e+06, v33;
	v27 =	vld.idx.msk [tilespmem:v16+s18+$0x0], $0xffff  }
0x14e: {  	v37 =	vmax.f32 v31, $8.388608000e+06;
	v38 =	vmax.f32 v28, $8.388608000e+06;
	v35 =	vadd.f32 $8.396808000e+06, v35;
	v28 =	vld.idx.msk [tilespmem:v17+s18+$0x0], $0xffff  }
0x14f: {  	v39 =	vmin.f32 v30, $8.404992000e+06;
	v34 =	vmax.f32 v34, $8.388608000e+06;
	v33 =	vmax.f32 v33, $8.388608000e+06;
	v31 =	vld.idx.msk [tilespmem:v21+s4+$0x0], $0xffff  }
0x150: {  	v37 =	vmin.f32 v37, $8.404992000e+06;
	v21 =	vmin.f32 v32, $8.404992000e+06;
	v32 =	vmax.f32 v35, $8.388608000e+06;
	v30 =	vld.idx.msk [tilespmem:v23+s4+$0x0], $0xffff  }
.Ltmp10:
0x151: {  	v34 =	vmin.f32 v34, $8.404992000e+06;
	v23 =	vmin.f32 v38, $8.404992000e+06;
	v33 =	vmin.f32 v33, $8.404992000e+06;
	v35 =	vld.idx.msk [tilespmem:v36+s18+$0x0], $0xffff;
	(pc) =	sbr.rel @p2 .LBB2_15-.Ltmp10, $4  }
0x152: {  	v38 =	vand.u32 $0xFFFFF0, v39;
	v40 =	vand.u32 $0xFFFFF0, v21;
	v39 =	vmin.f32 v32, $8.404992000e+06;
	v32 =	vld.idx.msk [tilespmem:v19+s4+$0x0], $0xffff  }
0x153: {  	v41 =	vand.u32 $0xFFFFF0, v23;
	v19 =	vand.u32 $0xFFFFF0, v37;
	v37 =	vand.u32 $0xFFFFF0, v34;
	v36 =	vld.idx.msk [tilespmem:v36+s4+$0x0], $0xffff  }
0x154: {  	v21 =	vor.u32 v0, v38;
	v38 =	vand.u32 $0xFFFFF0, v33;
	v39 =	vand.u32 $0xFFFFF0, v39;
	v33 =	vld.idx.msk [tilespmem:v18+s4+$0x0], $0xffff  }
0x155: {  	s22 =	sadd.s32 $0x8, s22;
	s23 =	sadd.s32 $0x200, s23;
	v23 =	vor.u32 v0, v40;
	v19 =	vor.u32 v0, v19;
	v18 =	vor.u32 v0, v41;
	v34 =	vld.idx.msk [tilespmem:v29+s4+$0x0], $0xffff  }
0x156: {  	_ =	sdelay $0x3  }
0x157: {  	v16 =	vld.idx.msk [tilespmem:v16+s4+$0x0], $0xffff  }
0x158: {  	v17 =	vld.idx.msk [tilespmem:v17+s4+$0x0], $0xffff  }
0x159: {  	v50 =	vld.idx.msk [tilespmem:v21+s18+$0x0], $0xffff  }
0x15a: {  	v40 =	vld.idx.msk [tilespmem:v23+s18+$0x0], $0xffff  }
0x15b: {  	v29 =	vor.u32 v0, v37;
	v51 =	vld.idx.msk [tilespmem:v19+s18+$0x0], $0xffff;
	v2 =	vmul.f32 v24, v2  }
0x15c: {  	v49 =	vor.u32 v0, v38;
	v15 =	vmul.f32 v35, v15;
	v52 =	vld.idx.msk [tilespmem:v18+s18+$0x0], $0xffff  }
0x15d: {  	v39 =	vor.u32 v0, v39;
	v7 =	vmul.f32 v20, v7;
	v56 =	vld.idx.msk [tilespmem:v21+s4+$0x0], $0xffff;
	v2 =	vadd.f32 v2, v32  }
0x15e: {  	v6 =	vmul.f32 v22, v6;
	v57 =	vld.idx.msk [tilespmem:v23+s4+$0x0], $0xffff;
	v15 =	vadd.f32 v15, v36  }
0x15f: {  	v1 =	vmul.f32 v25, v1;
	v7 =	vadd.f32 v7, v31;
	[tilespmem:s17+$0x14120] =	vst v2;
	v2 =	vld.idx.msk [tilespmem:v19+s4+$0x0], $0xffff  }
0x160: {  	v4 =	vmul.f32 v26, v4;
	v6 =	vadd.f32 v6, v30;
	[tilespmem:s11+$0x14170] =	vst v15;
	v53 =	vld.idx.msk [tilespmem:v29+s18+$0x0], $0xffff  }
0x161: {  	v5 =	vmul.f32 v27, v5;
	v1 =	vadd.f32 v1, v33;
	[tilespmem:s17+$0x14100] =	vst v7;
	v54 =	vld.idx.msk [tilespmem:v49+s18+$0x0], $0xffff  }
0x162: {  	v3 =	vmul.f32 v28, v3;
	[tilespmem:s17+$0x14110] =	vst v6;
	v4 =	vadd.f32 v4, v34;
	v55 =	vld.idx.msk [tilespmem:v39+s18+$0x0], $0xffff  }
0x163: {  	v5 =	vadd.f32 v5, v16;
	[tilespmem:s17+$0x14130] =	vst v1;
	v1 =	vld.idx.msk [tilespmem:v18+s4+$0x0], $0xffff;
	v8 =	vmul.f32 v50, v8  }
0x164: {  	v3 =	vadd.f32 v3, v17;
	v58 =	vld.idx.msk [tilespmem:v29+s4+$0x0], $0xffff;
	v9 =	vmul.f32 v40, v9;
	[tilespmem:s17+$0x14140] =	vst v4  }
0x165: {  	v59 =	vld.idx.msk [tilespmem:v49+s4+$0x0], $0xffff;
	v10 =	vmul.f32 v51, v10;
	[tilespmem:s17+$0x14150] =	vst v5;
	v7 =	vadd.f32 v8, v56  }
0x166: {  	v60 =	vmul.f32 v52, v11;
	[tilespmem:s17+$0x14160] =	vst v3;
	v3 =	vld.idx.msk [tilespmem:v39+s4+$0x0], $0xffff;
	v6 =	vadd.f32 v9, v57  }
0x167: {  	v2 =	vadd.f32 v10, v2;
	[tilespmem:s11+$0x14100] =	vst v7;
	v61 =	vmul.f32 v53, v12  }
0x168: {  	[tilespmem:s11+$0x14110] =	vst v6;
	v62 =	vmul.f32 v54, v13;
	v1 =	vadd.f32 v60, v1  }
0x169: {  	v63 =	vmul.f32 v55, v14;
	[tilespmem:s11+$0x14120] =	vst v2;
	v4 =	vadd.f32 v61, v58  }
.Ltmp11:
0x16a: {  	v2 =	vadd.f32 v62, v59;
	[tilespmem:s11+$0x14130] =	vst v1;
	(pc) =	sbr.rel @p1 .LBB2_18-.Ltmp11, $4  }
0x16b: {  	v1 =	vadd.f32 v63, v3;
	[tilespmem:s11+$0x14140] =	vst v4  }
0x16c: {  	s10 =	sor.u32 $0x800, s10;
	[tilespmem:s11+$0x14150] =	vst v2  }
0x16d: {  	s1 =	sadd.s32 s3, s10;
	[tilespmem:s11+$0x14160] =	vst v1  }
0x16e: {  	[hbm4b:s1+s19] =	stream.strided.scatter [tilespmem:s2], [sflag:$0x7], $0x2000, s20, s19, $0x38;
	[tilespmem:$0x18100] =	vst v63  }
.Ltmp12:
0x16f: {  	(pc) =	sbr.rel .LBB2_19-.Ltmp12, $4  }
0x170: {  	_ = 	snop  }
0x171: {  	_ =	swait.ge [sflag:s5], $0x2000  }
0x172: {  	[sflag:s5] =	ssyncset.done $0x0  }
0x173: {  	[sflag:s5] =	ssyncadd.s32 $0xFFFFE000  }
.LBB2_18:
0x174: {  	s1 =	sadd.s32 s16, s15  }
0x175: {  	s11 =	rddreg [dreg:$0x0];
	s1 =	sshrl.u32 s1, $0x3  }
.Ltmp13:
0x176: {  	s24 =	simm.s32 $0xC100;
	s1 =	sadd.s32 s11, s1;
	(pc) =	sbr.rel @p0 .LBB2_20-.Ltmp13, $4  }
0x177: {  	[tilespmem:s24], [sflag:$0x3] =	stream.strided.gather [hbm4b:s1+s19], $0x2000, s20, s19, $0x38;
	[tilespmem:$0x18100] =	vst v63  }
0x178: {  	_ =	swait.ge [sflag:s5], $0x2000  }
0x179: {  	[sflag:s5] =	ssyncset.done $0x0  }
0x17a: {  	[sflag:s5] =	ssyncadd.s32 $0xFFFFE000  }
.LBB2_19:
0x17b: {  	_ =	swait.ge [sflag:s6], $0x2000  }
0x17c: {  	[sflag:s6] =	ssyncset.done $0x0  }
0x17d: {  	[sflag:s6] =	ssyncadd.s32 $0xFFFFE000  }
.LBB2_20:
0x17e: {  	s1 =	simm.s32 $0x0  }
0x17f: {  	s11 =	sand.u32 $0x1E00, s1;
	s1 =	sand.u32 $0x180, s1  }
0x180: {  	s17 =	sor.u32 s1, s11  }
0x181: {  	v13 =	vld [tilespmem:s17+$0xE170]  }
0x182: {  	v7 =	vld [tilespmem:s17+$0xE100]  }
0x183: {  	v6 =	vld [tilespmem:s17+$0xE110]  }
0x184: {  	v2 =	vld [tilespmem:s17+$0xE120]  }
0x185: {  	v1 =	vld [tilespmem:s17+$0xE130]  }
0x186: {  	v4 =	vld [tilespmem:s17+$0xE140]  }
0x187: {  	v5 =	vld [tilespmem:s17+$0xE150]  }
0x188: {  	v3 =	vmul.f32 $8.184000000e+03, v13  }
0x189: {  	v8 =	vmul.f32 $8.184000000e+03, v7;
	v10 =	vmul.f32 $8.184000000e+03, v6  }
0x18a: {  	v11 =	vmul.f32 $8.184000000e+03, v2;
	v12 =	vmul.f32 $8.184000000e+03, v1  }
0x18b: {  	v14 =	vmul.f32 $8.184000000e+03, v4;
	v3 =	vadd.f32 $8.396808000e+06, v3;
	v8 =	vadd.f32 $8.396808000e+06, v8  }
0x18c: {  	v15 =	vmul.f32 $8.184000000e+03, v5;
	v10 =	vadd.f32 $8.396808000e+06, v10;
	v11 =	vadd.f32 $8.396808000e+06, v11  }
0x18d: {  	s23 =	simm.s32 $0x8;
	s24 =	simm.s32 $0x200;
	v12 =	vadd.f32 $8.396808000e+06, v12;
	v14 =	vadd.f32 $8.396808000e+06, v14  }
0x18e: {  	s11 =	sand.u32 $0x1E00, s24;
	s1 =	sand.u32 $0x180, s23;
	v15 =	vadd.f32 $8.396808000e+06, v15;
	v9 =	vmax.f32 v3, $8.388608000e+06;
	v10 =	vmax.f32 v10, $8.388608000e+06  }
0x18f: {  	s11 =	sor.u32 s1, s11;
	v3 =	vld [tilespmem:s17+$0xE160];
	v11 =	vmax.f32 v11, $8.388608000e+06;
	v12 =	vmax.f32 v12, $8.388608000e+06;
	v14 =	vmax.f32 v14, $8.388608000e+06  }
0x190: {  	v18 =	vmax.f32 v15, $8.388608000e+06;
	v15 =	vld [tilespmem:s11+$0xE170];
	v9 =	vmin.f32 v9, $8.404992000e+06;
	v11 =	vmin.f32 v11, $8.404992000e+06  }
0x191: {  	v12 =	vmin.f32 v12, $8.404992000e+06;
	v9 =	vand.u32 $0xFFFFF0, v9;
	v11 =	vand.u32 $0xFFFFF0, v11  }
0x192: {  	v12 =	vand.u32 $0xFFFFF0, v12;
	v9 =	vor.u32 v0, v9;
	v29 =	vor.u32 v0, v11;
	v11 =	vld [tilespmem:s11+$0xE130]  }
0x193: {  	v10 =	vmin.f32 v10, $8.404992000e+06;
	v14 =	vmin.f32 v14, $8.404992000e+06;
	v33 =	vor.u32 v0, v12;
	v12 =	vld [tilespmem:s11+$0xE140]  }
0x194: {  	v20 =	vand.u32 $0xFFFFF0, v10;
	v14 =	vand.u32 $0xFFFFF0, v14;
	v16 =	vmul.f32 $8.184000000e+03, v3  }
0x195: {  	v23 =	vor.u32 v0, v20;
	v34 =	vor.u32 v0, v14;
	v14 =	vld [tilespmem:s11+$0xE160];
	v20 =	vmul.f32 $8.184000000e+03, v15  }
0x196: {  	v8 =	vmax.f32 v8, $8.388608000e+06;
	v10 =	vld [tilespmem:s11+$0xE120];
	v16 =	vadd.f32 $8.396808000e+06, v16  }
0x197: {  	v8 =	vmin.f32 v8, $8.404992000e+06;
	v25 =	vadd.f32 $8.396808000e+06, v20;
	v17 =	vld.idx.msk [tilespmem:v9+s18+$0x0], $0xffff  }
0x198: {  	v19 =	vld.idx.msk [tilespmem:v9+s4+$0x0], $0xffff;
	v26 =	vmul.f32 $8.184000000e+03, v11;
	v30 =	vmul.f32 $8.184000000e+03, v12;
	v9 =	vmax.f32 v16, $8.388608000e+06  }
0x199: {  	v16 =	vmin.f32 v18, $8.404992000e+06;
	v18 =	vand.u32 $0xFFFFF0, v8;
	v8 =	vld [tilespmem:s11+$0xE100];
	v25 =	vmax.f32 v25, $8.388608000e+06  }
0x19a: {  	v35 =	vmul.f32 $8.184000000e+03, v14;
	v21 =	vmin.f32 v9, $8.404992000e+06;
	v9 =	vld [tilespmem:s11+$0xE110];
	v25 =	vmin.f32 v25, $8.404992000e+06  }
0x19b: {  	v18 =	vor.u32 v0, v18;
	v31 =	vadd.f32 $8.396808000e+06, v26;
	v26 =	vand.u32 $0xFFFFF0, v25;
	v25 =	vld.idx.msk [tilespmem:v33+s18+$0x0], $0xffff  }
0x19c: {  	v16 =	vand.u32 $0xFFFFF0, v16;
	v30 =	vadd.f32 $8.396808000e+06, v30;
	v35 =	vadd.f32 $8.396808000e+06, v35;
	v33 =	vld.idx.msk [tilespmem:v33+s4+$0x0], $0xffff  }
0x19d: {  	v21 =	vand.u32 $0xFFFFF0, v21;
	v16 =	vor.u32 v0, v16;
	v36 =	vor.u32 v0, v26;
	v26 =	vld.idx.msk [tilespmem:v34+s18+$0x0], $0xffff  }
0x19e: {  	v39 =	vmax.f32 v31, $8.388608000e+06;
	v40 =	vmax.f32 v30, $8.388608000e+06;
	v22 =	vmul.f32 v17, v13;
	v13 =	vld [tilespmem:s11+$0xE150]  }
0x19f: {  	v61 =	vmax.f32 v35, $8.388608000e+06;
	v30 =	vld.idx.msk [tilespmem:v23+s4+$0x0], $0xffff;
	v17 =	vor.u32 v0, v21;
	v24 =	vmul.f32 $8.184000000e+03, v8  }
0x1a0: {  	v34 =	vld.idx.msk [tilespmem:v34+s4+$0x0], $0xffff;
	v62 =	vmin.f32 v40, $8.404992000e+06;
	v42 =	vmin.f32 v61, $8.404992000e+06;
	v21 =	vmul.f32 $8.184000000e+03, v9  }
0x1a1: {  	v19 =	vadd.f32 v22, v19;
	v20 =	vld.idx.msk [tilespmem:v18+s18+$0x0], $0xffff;
	v27 =	vadd.f32 $8.396808000e+06, v24;
	v24 =	vmul.f32 $8.184000000e+03, v10  }
0x1a2: {  	v22 =	vld.idx.msk [tilespmem:v23+s18+$0x0], $0xffff;
	v23 =	vmin.f32 v39, $8.404992000e+06;
	v39 =	vand.u32 $0xFFFFF0, v42;
	v21 =	vadd.f32 $8.396808000e+06, v21  }
0x1a3: {  	v31 =	vld.idx.msk [tilespmem:v18+s4+$0x0], $0xffff;
	v28 =	vadd.f32 $8.396808000e+06, v24;
	v32 =	vmul.f32 $8.184000000e+03, v13;
	v37 =	vmax.f32 v27, $8.388608000e+06  }
0x1a4: {  	v43 =	vand.u32 $0xFFFFF0, v23;
	v35 =	vld.idx.msk [tilespmem:v36+s18+$0x0], $0xffff;
	v21 =	vmax.f32 v21, $8.388608000e+06;
	v37 =	vmin.f32 v37, $8.404992000e+06  }
0x1a5: {  	v36 =	vld.idx.msk [tilespmem:v36+s4+$0x0], $0xffff;
	v32 =	vadd.f32 $8.396808000e+06, v32;
	v38 =	vmax.f32 v28, $8.388608000e+06;
	v18 =	vmin.f32 v21, $8.404992000e+06  }
0x1a6: {  	v24 =	vld.idx.msk [tilespmem:v29+s18+$0x0], $0xffff;
	v41 =	vand.u32 $0xFFFFF0, v37;
	v37 =	vand.u32 $0xFFFFF0, v62;
	v18 =	vand.u32 $0xFFFFF0, v18  }
0x1a7: {  	v27 =	vld.idx.msk [tilespmem:v16+s18+$0x0], $0xffff;
	v21 =	vmin.f32 v38, $8.404992000e+06;
	v32 =	vmax.f32 v32, $8.388608000e+06;
	v23 =	vor.u32 v0, v18  }
0x1a8: {  	v18 =	vor.u32 v0, v43;
	v63 =	vmin.f32 v32, $8.404992000e+06;
	v32 =	vld.idx.msk [tilespmem:v29+s4+$0x0], $0xffff;
	v29 =	vand.u32 $0xFFFFF0, v21  }
0x1a9: {  	s21 =	simm.s32 $0x80;
	s22 =	simm.s32 $0x10;
	s23 =	simm.s32 $0x400;
	[tilespmem:s17+$0x16170] =	vst v19;
	v28 =	vld.idx.msk [tilespmem:v17+s18+$0x0], $0xffff;
	v21 =	vor.u32 v0, v41;
	v38 =	vand.u32 $0xFFFFF0, v63;
	v19 =	vor.u32 v0, v29  }
.LBB2_21:
0x1aa: {  	s1 =	sand.u32 $0x1E00, s23;
	s24 =	sand.u32 $0x180, s22;
	s21 =	sadd.s32 $0x80, s21;
	v29 =	vor.u32 v0, v37;
	v37 =	vor.u32 v0, v39;
	v39 =	vld.idx.msk [tilespmem:v16+s4+$0x0], $0xffff;
	v16 =	vor.u32 v0, v38  }
0x1ab: {  	v35 =	vmul.f32 v35, v15;
	v20 =	vmul.f32 v20, v7;
	v7 =	vmovc v8;
	s1 =	sor.u32 s24, s1;
	p0 =	slt.u32 s21, $0x1F80;
	v38 =	vld.idx.msk [tilespmem:v17+s4+$0x0], $0xffff;
	v17 =	vmov v37  }
0x1ac: {  	v22 =	vmul.f32 v22, v6;
	v24 =	vmul.f32 v24, v2;
	v6 =	vmovc v9;
	v2 =	vmov v10;
	v15 =	vld [tilespmem:s1+$0xE170]  }
0x1ad: {  	v25 =	vmul.f32 v25, v1;
	v26 =	vmul.f32 v26, v4;
	v1 =	vmovc v11;
	v35 =	vadd.f32 v35, v36;
	v8 =	vld [tilespmem:s1+$0xE100]  }
0x1ae: {  	v27 =	vmul.f32 v27, v5;
	v28 =	vmul.f32 v28, v3;
	v4 =	vmovc v12;
	v20 =	vadd.f32 v20, v31;
	v9 =	vld [tilespmem:s1+$0xE110]  }
0x1af: {  	v5 =	vmovc v13;
	v3 =	vmov v14;
	v22 =	vadd.f32 v22, v30;
	v24 =	vadd.f32 v24, v32;
	v10 =	vld [tilespmem:s1+$0xE120];
	[tilespmem:s11+$0x16170] =	vst v35  }
0x1b0: {  	v11 =	vld [tilespmem:s1+$0xE130];
	[tilespmem:s17+$0x16100] =	vst v20;
	v20 =	vadd.f32 v25, v33;
	v25 =	vadd.f32 v26, v34  }
0x1b1: {  	v27 =	vadd.f32 v27, v39;
	v28 =	vadd.f32 v28, v38;
	v12 =	vld [tilespmem:s1+$0xE140];
	v26 =	vmul.f32 $8.184000000e+03, v15;
	[tilespmem:s17+$0x16110] =	vst v22  }
0x1b2: {  	v22 =	vmul.f32 $8.184000000e+03, v8;
	v13 =	vld [tilespmem:s1+$0xE150];
	[tilespmem:s17+$0x16120] =	vst v24  }
0x1b3: {  	v24 =	vmul.f32 $8.184000000e+03, v9;
	v14 =	vld [tilespmem:s1+$0xE160];
	v26 =	vadd.f32 $8.396808000e+06, v26;
	[tilespmem:s17+$0x16130] =	vst v20  }
0x1b4: {  	v30 =	vadd.f32 $8.396808000e+06, v22;
	v31 =	vmul.f32 $8.184000000e+03, v10;
	v20 =	vld.idx.msk [tilespmem:v21+s18+$0x0], $0xffff;
	[tilespmem:s17+$0x16140] =	vst v25  }
0x1b5: {  	v32 =	vadd.f32 $8.396808000e+06, v24;
	v25 =	vmul.f32 $8.184000000e+03, v11;
	v24 =	vmax.f32 v26, $8.388608000e+06;
	v22 =	vld.idx.msk [tilespmem:v23+s18+$0x0], $0xffff;
	[tilespmem:s17+$0x16150] =	vst v27  }
0x1b6: {  	v31 =	vadd.f32 $8.396808000e+06, v31;
	v26 =	vmul.f32 $8.184000000e+03, v12;
	v27 =	vmin.f32 v24, $8.404992000e+06;
	v24 =	vld.idx.msk [tilespmem:v19+s18+$0x0], $0xffff;
	[tilespmem:s17+$0x16160] =	vst v28;
	s17 =	smov.u32 s11;
	s11 =	smov.u32 s1  }
0x1b7: {  	v28 =	vadd.f32 $8.396808000e+06, v25;
	v33 =	vmul.f32 $8.184000000e+03, v13;
	v27 =	vand.u32 $0xFFFFF0, v27;
	v25 =	vld.idx.msk [tilespmem:v18+s18+$0x0], $0xffff  }
0x1b8: {  	v34 =	vadd.f32 $8.396808000e+06, v26;
	v35 =	vmul.f32 $8.184000000e+03, v14;
	v36 =	vor.u32 v0, v27;
	v26 =	vld.idx.msk [tilespmem:v29+s18+$0x0], $0xffff  }
0x1b9: {  	v30 =	vmax.f32 v30, $8.388608000e+06;
	v32 =	vmax.f32 v32, $8.388608000e+06;
	v33 =	vadd.f32 $8.396808000e+06, v33;
	v27 =	vld.idx.msk [tilespmem:v16+s18+$0x0], $0xffff  }
0x1ba: {  	v37 =	vmax.f32 v31, $8.388608000e+06;
	v38 =	vmax.f32 v28, $8.388608000e+06;
	v35 =	vadd.f32 $8.396808000e+06, v35;
	v28 =	vld.idx.msk [tilespmem:v17+s18+$0x0], $0xffff  }
0x1bb: {  	v39 =	vmin.f32 v30, $8.404992000e+06;
	v34 =	vmax.f32 v34, $8.388608000e+06;
	v33 =	vmax.f32 v33, $8.388608000e+06;
	v31 =	vld.idx.msk [tilespmem:v21+s4+$0x0], $0xffff  }
0x1bc: {  	v37 =	vmin.f32 v37, $8.404992000e+06;
	v21 =	vmin.f32 v32, $8.404992000e+06;
	v32 =	vmax.f32 v35, $8.388608000e+06;
	v30 =	vld.idx.msk [tilespmem:v23+s4+$0x0], $0xffff  }
.Ltmp14:
0x1bd: {  	v34 =	vmin.f32 v34, $8.404992000e+06;
	v23 =	vmin.f32 v38, $8.404992000e+06;
	v33 =	vmin.f32 v33, $8.404992000e+06;
	v35 =	vld.idx.msk [tilespmem:v36+s18+$0x0], $0xffff;
	(pc) =	sbr.rel @p0 .LBB2_21-.Ltmp14, $4  }
0x1be: {  	v38 =	vand.u32 $0xFFFFF0, v39;
	v40 =	vand.u32 $0xFFFFF0, v21;
	v39 =	vmin.f32 v32, $8.404992000e+06;
	v32 =	vld.idx.msk [tilespmem:v19+s4+$0x0], $0xffff  }
0x1bf: {  	v41 =	vand.u32 $0xFFFFF0, v23;
	v19 =	vand.u32 $0xFFFFF0, v37;
	v37 =	vand.u32 $0xFFFFF0, v34;
	v36 =	vld.idx.msk [tilespmem:v36+s4+$0x0], $0xffff  }
0x1c0: {  	v21 =	vor.u32 v0, v38;
	v38 =	vand.u32 $0xFFFFF0, v33;
	v39 =	vand.u32 $0xFFFFF0, v39;
	v33 =	vld.idx.msk [tilespmem:v18+s4+$0x0], $0xffff  }
0x1c1: {  	s22 =	sadd.s32 $0x8, s22;
	s23 =	sadd.s32 $0x200, s23;
	v23 =	vor.u32 v0, v40;
	v19 =	vor.u32 v0, v19;
	v18 =	vor.u32 v0, v41;
	v34 =	vld.idx.msk [tilespmem:v29+s4+$0x0], $0xffff  }
0x1c2: {  	_ =	sdelay $0x3  }
0x1c3: {  	v16 =	vld.idx.msk [tilespmem:v16+s4+$0x0], $0xffff  }
0x1c4: {  	v17 =	vld.idx.msk [tilespmem:v17+s4+$0x0], $0xffff  }
0x1c5: {  	v50 =	vld.idx.msk [tilespmem:v21+s18+$0x0], $0xffff  }
0x1c6: {  	v40 =	vld.idx.msk [tilespmem:v23+s18+$0x0], $0xffff  }
0x1c7: {  	v29 =	vor.u32 v0, v37;
	v51 =	vld.idx.msk [tilespmem:v19+s18+$0x0], $0xffff;
	v2 =	vmul.f32 v24, v2  }
0x1c8: {  	v49 =	vor.u32 v0, v38;
	v15 =	vmul.f32 v35, v15;
	v52 =	vld.idx.msk [tilespmem:v18+s18+$0x0], $0xffff  }
0x1c9: {  	v39 =	vor.u32 v0, v39;
	v7 =	vmul.f32 v20, v7;
	v56 =	vld.idx.msk [tilespmem:v21+s4+$0x0], $0xffff;
	v2 =	vadd.f32 v2, v32  }
0x1ca: {  	v6 =	vmul.f32 v22, v6;
	v57 =	vld.idx.msk [tilespmem:v23+s4+$0x0], $0xffff;
	v15 =	vadd.f32 v15, v36  }
0x1cb: {  	v1 =	vmul.f32 v25, v1;
	v7 =	vadd.f32 v7, v31;
	[tilespmem:s17+$0x16120] =	vst v2;
	v2 =	vld.idx.msk [tilespmem:v19+s4+$0x0], $0xffff  }
0x1cc: {  	v4 =	vmul.f32 v26, v4;
	v6 =	vadd.f32 v6, v30;
	[tilespmem:s11+$0x16170] =	vst v15;
	v53 =	vld.idx.msk [tilespmem:v29+s18+$0x0], $0xffff  }
0x1cd: {  	v5 =	vmul.f32 v27, v5;
	v1 =	vadd.f32 v1, v33;
	[tilespmem:s17+$0x16100] =	vst v7;
	v54 =	vld.idx.msk [tilespmem:v49+s18+$0x0], $0xffff  }
0x1ce: {  	v3 =	vmul.f32 v28, v3;
	[tilespmem:s17+$0x16110] =	vst v6;
	v4 =	vadd.f32 v4, v34;
	v55 =	vld.idx.msk [tilespmem:v39+s18+$0x0], $0xffff  }
0x1cf: {  	v5 =	vadd.f32 v5, v16;
	[tilespmem:s17+$0x16130] =	vst v1;
	v1 =	vld.idx.msk [tilespmem:v18+s4+$0x0], $0xffff;
	v8 =	vmul.f32 v50, v8  }
0x1d0: {  	v3 =	vadd.f32 v3, v17;
	v58 =	vld.idx.msk [tilespmem:v29+s4+$0x0], $0xffff;
	v9 =	vmul.f32 v40, v9;
	[tilespmem:s17+$0x16140] =	vst v4  }
0x1d1: {  	v59 =	vld.idx.msk [tilespmem:v49+s4+$0x0], $0xffff;
	v10 =	vmul.f32 v51, v10;
	[tilespmem:s17+$0x16150] =	vst v5;
	v7 =	vadd.f32 v8, v56  }
0x1d2: {  	v60 =	vmul.f32 v52, v11;
	[tilespmem:s17+$0x16160] =	vst v3;
	v3 =	vld.idx.msk [tilespmem:v39+s4+$0x0], $0xffff;
	v6 =	vadd.f32 v9, v57  }
0x1d3: {  	v2 =	vadd.f32 v10, v2;
	[tilespmem:s11+$0x16100] =	vst v7;
	v61 =	vmul.f32 v53, v12  }
0x1d4: {  	[tilespmem:s11+$0x16110] =	vst v6;
	v62 =	vmul.f32 v54, v13;
	v1 =	vadd.f32 v60, v1  }
0x1d5: {  	p0 =	seq.s32 s12, $0xF;
	v63 =	vmul.f32 v55, v14;
	[tilespmem:s11+$0x16120] =	vst v2;
	v4 =	vadd.f32 v61, v58  }
.Ltmp15:
0x1d6: {  	v2 =	vadd.f32 v62, v59;
	[tilespmem:s11+$0x16130] =	vst v1;
	(pc) =	sbr.rel @p0 .LBB2_24-.Ltmp15, $4  }
0x1d7: {  	v1 =	vadd.f32 v63, v3;
	[tilespmem:s11+$0x16140] =	vst v4  }
0x1d8: {  	[tilespmem:s11+$0x16150] =	vst v2  }
0x1d9: {  	s1 =	sadd.s32 s10, s14;
	[tilespmem:s11+$0x16160] =	vst v1  }
0x1da: {  	[hbm4b:s1+s19] =	stream.strided.scatter [tilespmem:s9], [sflag:$0x8], $0x2000, s20, s19, $0x38;
	[tilespmem:$0x18100] =	vst v63  }
.Ltmp16:
0x1db: {  	(pc) =	sbr.rel .LBB2_2-.Ltmp16, $4  }
0x1dc: {  	s1 =	sadd.s32 s16, s15  }
0x1dd: {  	s1 =	sshrl.u32 s1, $0x3  }
0x1de: {  	s10 =	simm.s32 $0xE100;
	s12 =	sadd.s32 $0x1, s12;
	s1 =	sadd.s32 s1, s8  }
0x1df: {  	[tilespmem:s10], [sflag:$0x4] =	stream.strided.gather [hbm4b:s1+s19], $0x2000, s20, s19, $0x38;
	[tilespmem:$0x18100] =	vst v63  }
.LBB2_25:
0x1e0: {  	_ =	sfence.sel $0x180000  }
0x1e1: {  	[bflag:$0x0] =	sbarrier.arrive $0xFFFF  }
0x1e2: {  	_ =	strace $0x90000047  }
0x1e3: {  	s0 =	stileid.u32;
	[bflag:$0x2] =	sbarrier.arrive $0xFFFF  }
0x1e4: {  	p0 =	sne.s32 s0, $0x0;
	s0 =	rddreg [dreg:$0x3]  }
0x1e5: {  	s0 =	sadd.s32 @!p0 $0x100000, s0  }
0x1e6: {  	[sflag:s0] =	ssyncadd.tile.s32 @!p0 $0x1;
	_ =	shalt  }
.Lfunc_end2:
_tile_overlayer_lowered:
.L_overlay_start_2:
0x1e7: {  	(tag) =	ssettag $0x2  }
0x1e8: {  	s0 =	rddreg [dreg:$0x0];
	s2 =	stileid.u32  }
0x1e9: {  	s1 =	rddreg [dreg:$0x1];
	p0 =	sne.s32 s2, $0x0  }
0x1ea: {  	s3 =	rddreg [dreg:$0x2];
	[bflag:$0x3] =	sbarrier.arrive $0xFFFF;
	s2 =	simm.s32 @!p0 $0x1C09  }
0x1eb: {  	[timem:s3], [sflag:s2] =	dma.local @!p0 [hbm:s0], s1  }
0x1ec: {  	s0 =	simm.s32 @!p0 $0x9  }
0x1ed: {  	_ =	swait.ge @!p0 [sflag:s0], s1  }
0x1ee: {  	s1 =	ssub.s32 @!p0 $0x0, s1;
	[sflag:s0] =	ssyncset.done @!p0 $0x0  }
0x1ef: {  	[sflag:s0] =	ssyncadd.s32 @!p0 s1  }
0x1f0: {  	[bflag:$0x3] =	sbarrier.arrive $0xFFFF  }
0x1f1: {  	_ =	shalt  }

</sc_bundles>
